<compile_context>
chip_gen: v7x
topology: tpu7x:2x2x1
jax: 0.10.2.dev20260603
libtpu: 0.0.44.dev20260713+nightly
codegen_flags: <defaults>
</compile_context>

<pallas_src>
import jax
import jax.numpy as jnp
from jax import lax
from jax.experimental import pallas as pl
from jax.experimental.pallas import tpu as pltpu
from jax.experimental.pallas import tpu_sc as plsc

_NC = 2
_NS = 16
_NW = _NC * _NS
_CHUNK = 128
_NB = 4
_ROWB = 1000


def _make_sc_agg(n, feat, e, compute_deg):
    hh = feat // 2
    cpw = -(-e // (_NS * _CHUNK))
    cpw = ((cpw + _NB - 1) // _NB) * _NB
    hcw = cpw // 2
    npad = n + 8
    npad16 = ((npad + 15) // 16) * 16
    span = (n // _NS) & ~7
    tail = n - span * _NS
    mesh = plsc.VectorSubcoreMesh(core_axis_name="c", subcore_axis_name="s",
                                  num_cores=_NC, num_subcores=_NS)

    outs = [jax.ShapeDtypeStruct((_NC, n, hh), jnp.float32)]
    scratch = [
        pltpu.VMEM((cpw, _CHUNK), jnp.int32),
        pltpu.VMEM((cpw, _CHUNK), jnp.int32),
        pltpu.VMEM_SHARED((npad, hh), jnp.float32),
        pltpu.VMEM_SHARED((n, hh), jnp.float32),
    ]
    if compute_deg:
        outs.append(jax.ShapeDtypeStruct((_NW, 1, npad16), jnp.float32))
        scratch.append(pltpu.VMEM((npad16,), jnp.float32))
    scratch += [pltpu.VMEM((_CHUNK, hh), jnp.float32)] * _NB
    scratch += [pltpu.SemaphoreType.DMA] * (2 * _NB)

    def body(p_hbm, src_hbm, dst_hbm, zeros_hbm, *rest):
        if compute_deg:
            out_hbm, deg_hbm, sidx_all, didx_all, acc_sh, tbl_sh, ldeg = rest[:7]
            bufs = rest[7:]
        else:
            out_hbm, sidx_all, didx_all, acc_sh, tbl_sh = rest[:5]
            bufs = rest[5:]
        rows = bufs[:_NB]
        gsem = bufs[_NB:2 * _NB]
        ssem = bufs[2 * _NB:3 * _NB]
        c = lax.axis_index("c")
        s = lax.axis_index("s")
        wid = s * _NC + c

        pltpu.sync_copy(src_hbm.at[pl.ds(s * cpw, cpw)], sidx_all)
        pltpu.sync_copy(dst_hbm.at[pl.ds(s * cpw, cpw)], didx_all)

        @pl.when(s == 0)
        def _():
            pltpu.sync_copy(zeros_hbm, acc_sh)

        @pl.when(s == 1)
        def _():
            pltpu.sync_copy(p_hbm.at[c], tbl_sh)

        if compute_deg:
            z16 = jnp.zeros((16,), jnp.float32)

            def zb(i, carry):
                ldeg[pl.ds(i * 16, 16)] = z16
                return carry

            lax.fori_loop(0, npad16 // 16, zb, 0)

        plsc.subcore_barrier()

        for b in range(_NB):
            pltpu.async_copy(tbl_sh.at[sidx_all.at[b]], rows[b], gsem[b])

        if compute_deg:
            ones16 = jnp.ones((16,), jnp.float32)

            def db(q, carry):
                for r in range(_CHUNK // 16):
                    d = didx_all[c * hcw + q, pl.ds(r * 16, 16)]
                    plsc.addupdate_scatter(ldeg, [d], ones16)
                return carry

            lax.fori_loop(0, hcw, db, 0)

        def outer(k, carry):
            for b in range(_NB):
                i = k * _NB + b
                pltpu.make_async_copy(
                    tbl_sh.at[sidx_all.at[i]], rows[b], gsem[b]).wait()
                pltpu.async_copy(
                    rows[b], acc_sh.at[didx_all.at[i]], ssem[b], add=True)
                pltpu.make_async_copy(
                    rows[b], acc_sh.at[didx_all.at[i]], ssem[b]).wait()

                @pl.when(i + _NB < cpw)
                def _():
                    pltpu.async_copy(
                        tbl_sh.at[sidx_all.at[i + _NB]], rows[b], gsem[b])
            return carry

        lax.fori_loop(0, cpw // _NB, outer, 0)

        if compute_deg:
            pltpu.sync_copy(ldeg, deg_hbm.at[wid, 0])
        plsc.subcore_barrier()
        pltpu.sync_copy(
            acc_sh.at[pl.ds(s * span, span)],
            out_hbm.at[c, pl.ds(s * span, span)],
        )
        if tail:
            @pl.when(s == 0)
            def _():
                pltpu.sync_copy(
                    acc_sh.at[pl.ds(span * _NS, tail)],
                    out_hbm.at[c, pl.ds(span * _NS, tail)],
                )

    return pl.kernel(body, out_type=tuple(outs), mesh=mesh,
                     scratch_types=scratch,
                     compiler_params=pltpu.CompilerParams(
                         needs_layout_passes=False,
                         use_tc_tiling_on_sc=False))


def _tc_proj(x, wl, wr):
    n, d = x.shape
    h = wl.shape[0]
    hh = h // 2
    dn = (((1,), (1,)), ((), ()))

    def body(x_ref, wl_ref, wr_ref, p_ref, r_ref):
        xv = x_ref[...]
        pv = lax.dot_general(xv, wl_ref[...], dn,
                             preferred_element_type=jnp.float32)
        p_ref[0, :, :] = pv[:, :hh]
        p_ref[1, :, :] = pv[:, hh:]
        r_ref[...] = lax.dot_general(xv, wr_ref[...], dn,
                                     preferred_element_type=jnp.float32)

    return pl.pallas_call(
        body,
        grid=(n // _ROWB,),
        in_specs=[
            pl.BlockSpec((_ROWB, d), lambda i: (i, 0)),
            pl.BlockSpec((h, d), lambda i: (0, 0)),
            pl.BlockSpec((h, d), lambda i: (0, 0)),
        ],
        out_specs=[pl.BlockSpec((2, _ROWB, hh), lambda i: (0, i, 0)),
                   pl.BlockSpec((_ROWB, h), lambda i: (i, 0))],
        out_shape=[jax.ShapeDtypeStruct((2, n, hh), jnp.float32),
                   jax.ShapeDtypeStruct((n, h), jnp.float32)],
    )(x, wl, wr)


def _tc_mid(a3, degt, r1, b1, wl, wr):
    n, h = r1.shape
    hh = h // 2
    nw = degt.shape[1]
    dn = (((1,), (1,)), ((), ()))

    def body(a_ref, deg_ref, r_ref, b_ref, wl_ref, wr_ref, p_ref, rr_ref):
        agg = jnp.concatenate([a_ref[0], a_ref[1]], axis=1)
        deg = jnp.maximum(jnp.sum(deg_ref[...], axis=1, keepdims=True), 1.0)
        h1 = jnp.maximum(agg / deg + b_ref[...] + r_ref[...], 0.0)
        pv = lax.dot_general(h1, wl_ref[...], dn,
                             preferred_element_type=jnp.float32)
        p_ref[0, :, :] = pv[:, :hh]
        p_ref[1, :, :] = pv[:, hh:]
        rr_ref[...] = lax.dot_general(h1, wr_ref[...], dn,
                                      preferred_element_type=jnp.float32)

    return pl.pallas_call(
        body,
        grid=(n // _ROWB,),
        in_specs=[
            pl.BlockSpec((2, _ROWB, hh), lambda i: (0, i, 0)),
            pl.BlockSpec((_ROWB, nw), lambda i: (i, 0)),
            pl.BlockSpec((_ROWB, h), lambda i: (i, 0)),
            pl.BlockSpec((1, h), lambda i: (0, 0)),
            pl.BlockSpec((h, h), lambda i: (0, 0)),
            pl.BlockSpec((h, h), lambda i: (0, 0)),
        ],
        out_specs=[pl.BlockSpec((2, _ROWB, hh), lambda i: (0, i, 0)),
                   pl.BlockSpec((_ROWB, h), lambda i: (i, 0))],
        out_shape=[jax.ShapeDtypeStruct((2, n, hh), jnp.float32),
                   jax.ShapeDtypeStruct((n, h), jnp.float32)],
    )(a3, degt, r1, b1, wl, wr)


def _tc_pool(a3, degt, r2, b2, batch2, wo, bo, g):
    n, h = r2.shape
    hh = h // 2
    nw = degt.shape[1]
    t = wo.shape[0]
    nblk = n // _ROWB
    dn1 = (((1,), (1,)), ((), ()))
    dn0 = (((0,), (0,)), ((), ()))

    def body(a_ref, deg_ref, r_ref, b_ref, bat_ref, wo_ref, bo_ref,
             out_ref, accv, accc):
        i = pl.program_id(0)

        @pl.when(i == 0)
        def _():
            accv[...] = jnp.zeros_like(accv)
            accc[...] = jnp.zeros_like(accc)

        agg = jnp.concatenate([a_ref[0], a_ref[1]], axis=1)
        deg = jnp.maximum(jnp.sum(deg_ref[...], axis=1, keepdims=True), 1.0)
        h2 = jnp.maximum(agg / deg + b_ref[...] + r_ref[...], 0.0)
        v = lax.dot_general(h2, wo_ref[...], dn1,
                            preferred_element_type=jnp.float32)
        gid = lax.broadcasted_iota(jnp.int32, (_ROWB, g), 1)
        mask = (bat_ref[...] == gid).astype(jnp.float32)
        accv[...] += lax.dot_general(mask, v, dn0,
                                     preferred_element_type=jnp.float32)
        accc[...] += lax.dot_general(mask, jnp.ones((_ROWB, 1), jnp.float32),
                                     dn0, preferred_element_type=jnp.float32)

        @pl.when(i == nblk - 1)
        def _():
            out_ref[...] = accv[...] / jnp.maximum(accc[...], 1.0) + bo_ref[...]

    return pl.pallas_call(
        body,
        grid=(nblk,),
        in_specs=[
            pl.BlockSpec((2, _ROWB, hh), lambda i: (0, i, 0)),
            pl.BlockSpec((_ROWB, nw), lambda i: (i, 0)),
            pl.BlockSpec((_ROWB, h), lambda i: (i, 0)),
            pl.BlockSpec((1, h), lambda i: (0, 0)),
            pl.BlockSpec((_ROWB, 1), lambda i: (i, 0)),
            pl.BlockSpec((t, h), lambda i: (0, 0)),
            pl.BlockSpec((1, t), lambda i: (0, 0)),
        ],
        out_specs=pl.BlockSpec((g, t), lambda i: (0, 0)),
        out_shape=jax.ShapeDtypeStruct((g, t), jnp.float32),
        scratch_shapes=[
            pltpu.VMEM((g, t), jnp.float32),
            pltpu.VMEM((g, 1), jnp.float32),
        ],
    )(a3, degt, r2, b2, batch2, wo, bo)


def kernel(x, edge_index, batch, W1_l, b1, W1_r, W2_l, b2, W2_r, Wo, bo):
    n, d = x.shape
    h = W1_l.shape[0]
    e = edge_index.shape[1]
    g = 256
    cpw = -(-e // (_NS * _CHUNK))
    cpw = ((cpw + _NB - 1) // _NB) * _NB
    pad = _NS * cpw * _CHUNK - e
    npad16 = ((n + 8 + 15) // 16) * 16
    src = jnp.concatenate([edge_index[0], jnp.zeros((pad,), jnp.int32)])
    src = src.reshape(_NS * cpw, _CHUNK)
    dst = jnp.concatenate([edge_index[1], jnp.full((pad,), n, jnp.int32)])
    dst = dst.reshape(_NS * cpw, _CHUNK)
    zeros_nf = jnp.zeros((n + 8, h // 2), jnp.float32)

    p1, r1 = _tc_proj(x, W1_l, W1_r)

    agg1, deg_raw = _make_sc_agg(n, h, e, True)(p1, src, dst, zeros_nf)
    degt = deg_raw.reshape(_NW, npad16)[:, :n].T

    p2, r2 = _tc_mid(agg1, degt, r1, b1.reshape(1, h), W2_l, W2_r)

    (agg2,) = _make_sc_agg(n, h, e, False)(p2, src, dst, zeros_nf)

    return _tc_pool(agg2, degt, r2, b2.reshape(1, h),
                    batch.reshape(n, 1), Wo, bo.reshape(1, -1), g)

# --- scband reference (transcript-rebuilt; emitter-appended) ---
"""Pipeline reference for scband-graph-sagenet-57801669869722 (READ-ONLY COPY).

The authoritative reference and input builder live on the scoring server;
editing this copy changes nothing except your own understanding.
"""

import jax, jax.numpy as jnp
import numpy as np

N = 10000
E = 320000
D = 128
H = 64
G = 256
T = 1


def setup_inputs(seed: int = 0) -> dict:
    key = jax.random.key(seed)
    ks = jax.random.split(key, 12)
    x = jax.random.normal(ks[0], (N, D), dtype=jnp.float32)
    edge_index = jax.random.randint(ks[1], (2, E), 0, N, dtype=jnp.int32)
    batch = jnp.sort(jax.random.randint(ks[2], (N,), 0, G, dtype=jnp.int32))
    s1 = 1.0 / np.sqrt(D)
    s2 = 1.0 / np.sqrt(H)
    W1_l = jax.random.uniform(ks[3], (H, D), jnp.float32, -s1, s1)
    b1 = jax.random.uniform(ks[4], (H,), jnp.float32, -s1, s1)
    W1_r = jax.random.uniform(ks[5], (H, D), jnp.float32, -s1, s1)
    W2_l = jax.random.uniform(ks[6], (H, H), jnp.float32, -s2, s2)
    b2 = jax.random.uniform(ks[7], (H,), jnp.float32, -s2, s2)
    W2_r = jax.random.uniform(ks[8], (H, H), jnp.float32, -s2, s2)
    Wo = jax.random.uniform(ks[9], (T, H), jnp.float32, -s2, s2)
    bo = jax.random.uniform(ks[10], (T,), jnp.float32, -s2, s2)
    return {"x": x, "edge_index": edge_index, "batch": batch,
            "W1_l": W1_l, "b1": b1, "W1_r": W1_r,
            "W2_l": W2_l, "b2": b2, "W2_r": W2_r,
            "Wo": Wo, "bo": bo}


def _sage_conv(h, edge_index, W_l, b_l, W_r):
    # PyG SAGEConv with mean aggregation:
    #   out = lin_l(mean_{j in N(i)} x_j) + lin_r(x_i)
    src = edge_index[0]
    dst = edge_index[1]
    msg = jnp.take(h, src, axis=0)                      # gather over edges
    agg = jax.ops.segment_sum(msg, dst, num_segments=N)  # scatter-add to dst
    deg = jax.ops.segment_sum(jnp.ones((edge_index.shape[1],), h.dtype), dst, num_segments=N)
    mean = agg / jnp.clip(deg, 1.0)[:, None]
    return mean @ W_l.T + b_l + h @ W_r.T


def reference(x, edge_index, batch, W1_l, b1, W1_r, W2_l, b2, W2_r, Wo, bo):
    h = jax.nn.relu(_sage_conv(x, edge_index, W1_l, b1, W1_r))
    h = jax.nn.relu(_sage_conv(h, edge_index, W2_l, b2, W2_r))
    # global_mean_pool over graph ids
    counts = jax.ops.segment_sum(jnp.ones((N,), h.dtype), batch, num_segments=G)
    pooled = jax.ops.segment_sum(h, batch, num_segments=G) / jnp.clip(counts, 1.0)[:, None]
    return pooled @ Wo.T + bo

if __name__ == "__main__":
    import jax
    _d = setup_inputs()
    print(jax.jit(kernel)(*tuple(_d.values())))

</pallas_src>

<mosaic_0001>
#map = affine_map<(d0, d1) -> (0, 0, 0)>
#map1 = affine_map<(d0, d1) -> (0, 0)>
module attributes {stable_mosaic.version = 14 : i64} {
  func.func @body(%arg0: i32, %arg1: i32, %arg2: memref<2x10000x32xf32, #tpu.memory_space<hbm>>, %arg3: memref<2560x128xi32, #tpu.memory_space<hbm>>, %arg4: memref<2560x128xi32, #tpu.memory_space<hbm>>, %arg5: memref<10008x32xf32, #tpu.memory_space<hbm>>, %arg6: memref<2x10000x32xf32, #tpu.memory_space<hbm>>, %arg7: memref<32x1x10016xf32, #tpu.memory_space<hbm>>, %arg8: memref<160x128xi32, #tpu.memory_space<vmem>>, %arg9: memref<160x128xi32, #tpu.memory_space<vmem>>, %arg10: memref<10008x32xf32, #tpu.memory_space<vmem_shared>>, %arg11: memref<10000x32xf32, #tpu.memory_space<vmem_shared>>, %arg12: memref<10016xf32, #tpu.memory_space<vmem>>, %arg13: memref<128x32xf32, #tpu.memory_space<vmem>>, %arg14: memref<128x32xf32, #tpu.memory_space<vmem>>, %arg15: memref<128x32xf32, #tpu.memory_space<vmem>>, %arg16: memref<128x32xf32, #tpu.memory_space<vmem>>, %arg17: memref<!tpu.dma_semaphore, #tpu.memory_space<semaphore_mem>>, %arg18: memref<!tpu.dma_semaphore, #tpu.memory_space<semaphore_mem>>, %arg19: memref<!tpu.dma_semaphore, #tpu.memory_space<semaphore_mem>>, %arg20: memref<!tpu.dma_semaphore, #tpu.memory_space<semaphore_mem>>, %arg21: memref<!tpu.dma_semaphore, #tpu.memory_space<semaphore_mem>>, %arg22: memref<!tpu.dma_semaphore, #tpu.memory_space<semaphore_mem>>, %arg23: memref<!tpu.dma_semaphore, #tpu.memory_space<semaphore_mem>>, %arg24: memref<!tpu.dma_semaphore, #tpu.memory_space<semaphore_mem>>) attributes {dimension_semantics = [#tpu.dimension_semantics<core_parallel>, #tpu.dimension_semantics<subcore_parallel>], iteration_bounds = array<i64: 2, 16>, scalar_prefetch = 0 : i64, scratch_operands = 17 : i64, tpu.core_type = #tpu.core_type<sc_vector_subcore>, window_params = [{transform_indices = #map}, {transform_indices = #map1}, {transform_indices = #map1}, {transform_indices = #map1}, {transform_indices = #map}, {transform_indices = #map}]} {
    %mul3A = arith.constant 2 : i32
    %mul3A_0 = arith.muli %arg1, %mul3A : i32
    %add3A = arith.addi %mul3A_0, %arg0 : i32
    %mul3A_1 = arith.constant 160 : i32
    %mul3A_2 = arith.muli %arg1, %mul3A_1 : i32
    "tpu.region"() ({
      %run_scoped3A_69 = tpu.sem_alloc : memref<!tpu.dma_semaphore, #tpu.memory_space<semaphore_mem>>
      %dma_start3A_70 = arith.constant 0 : i32
      %dma_start3A_71 = tpu.memref_slice %arg3[%mul3A_2, %dma_start3A_70] : memref<2560x128xi32, #tpu.memory_space<hbm>> -> memref<160x128xi32, #tpu.memory_space<hbm>>
      %dma_start3A_72 = arith.constant 0 : i32
      %dma_start3A_73 = tpu.memref_slice %arg3[%mul3A_2, %dma_start3A_72] : memref<2560x128xi32, #tpu.memory_space<hbm>> -> memref<160x128xi32, #tpu.memory_space<hbm>>
      tpu.enqueue_dma source(%dma_start3A_73 : memref<160x128xi32, #tpu.memory_space<hbm>>) target(%arg8 : memref<160x128xi32, #tpu.memory_space<vmem>>) target_semaphore(%run_scoped3A_69 : memref<!tpu.dma_semaphore, #tpu.memory_space<semaphore_mem>>)
      %dma_wait3A = arith.constant 0 : i32
      %dma_wait3A_74 = tpu.memref_slice %arg3[%mul3A_2, %dma_wait3A] : memref<2560x128xi32, #tpu.memory_space<hbm>> -> memref<160x128xi32, #tpu.memory_space<hbm>>
      %dma_wait3A_75 = arith.constant 0 : i32
      %dma_wait3A_76 = tpu.memref_slice %arg3[%mul3A_2, %dma_wait3A_75] : memref<2560x128xi32, #tpu.memory_space<hbm>> -> memref<160x128xi32, #tpu.memory_space<hbm>>
      tpu.wait_dma2 semaphore(%run_scoped3A_69 : memref<!tpu.dma_semaphore, #tpu.memory_space<semaphore_mem>>) src(%dma_wait3A_76 : memref<160x128xi32, #tpu.memory_space<hbm>>) dst(%arg8 : memref<160x128xi32, #tpu.memory_space<vmem>>)
      tpu.yield
    }) : () -> ()
    %mul3A_3 = arith.constant 160 : i32
    %mul3A_4 = arith.muli %arg1, %mul3A_3 : i32
    "tpu.region"() ({
      %run_scoped3A_69 = tpu.sem_alloc : memref<!tpu.dma_semaphore, #tpu.memory_space<semaphore_mem>>
      %dma_start3A_70 = arith.constant 0 : i32
      %dma_start3A_71 = tpu.memref_slice %arg4[%mul3A_4, %dma_start3A_70] : memref<2560x128xi32, #tpu.memory_space<hbm>> -> memref<160x128xi32, #tpu.memory_space<hbm>>
      %dma_start3A_72 = arith.constant 0 : i32
      %dma_start3A_73 = tpu.memref_slice %arg4[%mul3A_4, %dma_start3A_72] : memref<2560x128xi32, #tpu.memory_space<hbm>> -> memref<160x128xi32, #tpu.memory_space<hbm>>
      tpu.enqueue_dma source(%dma_start3A_73 : memref<160x128xi32, #tpu.memory_space<hbm>>) target(%arg9 : memref<160x128xi32, #tpu.memory_space<vmem>>) target_semaphore(%run_scoped3A_69 : memref<!tpu.dma_semaphore, #tpu.memory_space<semaphore_mem>>)
      %dma_wait3A = arith.constant 0 : i32
      %dma_wait3A_74 = tpu.memref_slice %arg4[%mul3A_4, %dma_wait3A] : memref<2560x128xi32, #tpu.memory_space<hbm>> -> memref<160x128xi32, #tpu.memory_space<hbm>>
      %dma_wait3A_75 = arith.constant 0 : i32
      %dma_wait3A_76 = tpu.memref_slice %arg4[%mul3A_4, %dma_wait3A_75] : memref<2560x128xi32, #tpu.memory_space<hbm>> -> memref<160x128xi32, #tpu.memory_space<hbm>>
      tpu.wait_dma2 semaphore(%run_scoped3A_69 : memref<!tpu.dma_semaphore, #tpu.memory_space<semaphore_mem>>) src(%dma_wait3A_76 : memref<160x128xi32, #tpu.memory_space<hbm>>) dst(%arg9 : memref<160x128xi32, #tpu.memory_space<vmem>>)
      tpu.yield
    }) : () -> ()
    %eq3A = arith.constant 0 : i32
    %eq3A_5 = arith.cmpi eq, %arg1, %eq3A : i32
    %convert_element_type3A = arith.extui %eq3A_5 : i1 to i32
    %cond3A = arith.constant 0 : i32
    %cond3A_6 = arith.cmpi ne, %convert_element_type3A, %cond3A : i32
    scf.if %cond3A_6 {
      "tpu.region"() ({
        %run_scoped3A_69 = tpu.sem_alloc : memref<!tpu.dma_semaphore, #tpu.memory_space<semaphore_mem>>
        tpu.enqueue_dma source(%arg5 : memref<10008x32xf32, #tpu.memory_space<hbm>>) target(%arg10 : memref<10008x32xf32, #tpu.memory_space<vmem_shared>>) target_semaphore(%run_scoped3A_69 : memref<!tpu.dma_semaphore, #tpu.memory_space<semaphore_mem>>)
        tpu.wait_dma2 semaphore(%run_scoped3A_69 : memref<!tpu.dma_semaphore, #tpu.memory_space<semaphore_mem>>) src(%arg5 : memref<10008x32xf32, #tpu.memory_space<hbm>>) dst(%arg10 : memref<10008x32xf32, #tpu.memory_space<vmem_shared>>)
        tpu.yield
      }) : () -> ()
    } else {
    }
    %eq3A_7 = arith.constant 1 : i32
    %eq3A_8 = arith.cmpi eq, %arg1, %eq3A_7 : i32
    %convert_element_type3A_9 = arith.extui %eq3A_8 : i1 to i32
    %cond3A_10 = arith.constant 0 : i32
    %cond3A_11 = arith.cmpi ne, %convert_element_type3A_9, %cond3A_10 : i32
    scf.if %cond3A_11 {
      "tpu.region"() ({
        %run_scoped3A_69 = tpu.sem_alloc : memref<!tpu.dma_semaphore, #tpu.memory_space<semaphore_mem>>
        %dma_start3A_70 = arith.constant 0 : i32
        %dma_start3A_71 = arith.constant 0 : i32
        %dma_start3A_72 = tpu.memref_slice %arg2[%arg0, %dma_start3A_70, %dma_start3A_71] : memref<2x10000x32xf32, #tpu.memory_space<hbm>> -> memref<1x10000x32xf32, #tpu.memory_space<hbm>>
        %dma_start3A_73 = tpu.memref_squeeze %dma_start3A_72 : memref<1x10000x32xf32, #tpu.memory_space<hbm>> -> memref<10000x32xf32, #tpu.memory_space<hbm>>
        tpu.enqueue_dma source(%dma_start3A_73 : memref<10000x32xf32, #tpu.memory_space<hbm>>) target(%arg11 : memref<10000x32xf32, #tpu.memory_space<vmem_shared>>) target_semaphore(%run_scoped3A_69 : memref<!tpu.dma_semaphore, #tpu.memory_space<semaphore_mem>>)
        %dma_wait3A = arith.constant 0 : i32
        %dma_wait3A_74 = arith.constant 0 : i32
        %dma_wait3A_75 = tpu.memref_slice %arg2[%arg0, %dma_wait3A, %dma_wait3A_74] : memref<2x10000x32xf32, #tpu.memory_space<hbm>> -> memref<1x10000x32xf32, #tpu.memory_space<hbm>>
        %dma_wait3A_76 = tpu.memref_squeeze %dma_wait3A_75 : memref<1x10000x32xf32, #tpu.memory_space<hbm>> -> memref<10000x32xf32, #tpu.memory_space<hbm>>
        tpu.wait_dma2 semaphore(%run_scoped3A_69 : memref<!tpu.dma_semaphore, #tpu.memory_space<semaphore_mem>>) src(%dma_wait3A_76 : memref<10000x32xf32, #tpu.memory_space<hbm>>) dst(%arg11 : memref<10000x32xf32, #tpu.memory_space<vmem_shared>>)
        tpu.yield
      }) : () -> ()
    } else {
    }
    %broadcast_in_dim3A = arith.constant 0.000000e+00 : f32
    %broadcast_in_dim3A_12 = vector.broadcast %broadcast_in_dim3A : f32 to vector<16xf32>
    %scan3A = arith.constant 0 : i32
    %scan3A_13 = arith.constant 0 : i32
    %scan3A_14 = arith.constant 626 : i32
    %scan3A_15 = arith.addi %scan3A_13, %scan3A_14 : i32
    %scan3A_16 = arith.constant 1 : i32
    scf.for %scan3A_69 = %scan3A_13 to %scan3A_15 step %scan3A_16  : i32 {
      %mul3A_70 = arith.constant 16 : i32
      %mul3A_71 = arith.muli %scan3A_69, %mul3A_70 : i32
      %swap3A = arith.index_cast %mul3A_71 : i32 to index
      %swap3A_72 = tpu.vector_load %arg12[%swap3A] {strides = array<i32>} : memref<10016xf32, #tpu.memory_space<vmem>>, vector<16xf32>,
      tpu.vector_store %arg12[%swap3A], %broadcast_in_dim3A_12 {strides = array<i32>} : memref<10016xf32, #tpu.memory_space<vmem>>, vector<16xf32>,
    }
    %scan3A_17 = arith.constant 626 : i32
    %barrier3A = arith.constant 0 : index
    tpu.barrier barrier_id(%barrier3A)
    %dma_start3A = arith.constant 0 : i32
    %dma_start3A_18 = arith.constant 0 : i32
    %dma_start3A_19 = tpu.memref_slice %arg8[%dma_start3A, %dma_start3A_18] : memref<160x128xi32, #tpu.memory_space<vmem>> -> memref<1x128xi32, #tpu.memory_space<vmem>>
    %dma_start3A_20 = tpu.memref_squeeze %dma_start3A_19 : memref<1x128xi32, #tpu.memory_space<vmem>> -> memref<128xi32, #tpu.memory_space<vmem>>
    %dma_start3A_21 = arith.constant 0 : i32
    %dma_start3A_22 = arith.constant 0 : i32
    %dma_start3A_23 = tpu.memref_slice %arg11[%dma_start3A_21, %dma_start3A_22] : memref<10000x32xf32, #tpu.memory_space<vmem_shared>> -> memref<10000x32xf32, #tpu.memory_space<vmem_shared>>
    tpu.enqueue_indirect_dma source(%dma_start3A_23 : memref<10000x32xf32, #tpu.memory_space<vmem_shared>>) target(%arg13 : memref<128x32xf32, #tpu.memory_space<vmem>>) offsets(%dma_start3A_20 : memref<128xi32, #tpu.memory_space<vmem>>) semaphore(%arg17 : memref<!tpu.dma_semaphore, #tpu.memory_space<semaphore_mem>>)
    %dma_start3A_24 = arith.constant 1 : i32
    %dma_start3A_25 = arith.constant 0 : i32
    %dma_start3A_26 = tpu.memref_slice %arg8[%dma_start3A_24, %dma_start3A_25] : memref<160x128xi32, #tpu.memory_space<vmem>> -> memref<1x128xi32, #tpu.memory_space<vmem>>
    %dma_start3A_27 = tpu.memref_squeeze %dma_start3A_26 : memref<1x128xi32, #tpu.memory_space<vmem>> -> memref<128xi32, #tpu.memory_space<vmem>>
    %dma_start3A_28 = arith.constant 0 : i32
    %dma_start3A_29 = arith.constant 0 : i32
    %dma_start3A_30 = tpu.memref_slice %arg11[%dma_start3A_28, %dma_start3A_29] : memref<10000x32xf32, #tpu.memory_space<vmem_shared>> -> memref<10000x32xf32, #tpu.memory_space<vmem_shared>>
    tpu.enqueue_indirect_dma source(%dma_start3A_30 : memref<10000x32xf32, #tpu.memory_space<vmem_shared>>) target(%arg14 : memref<128x32xf32, #tpu.memory_space<vmem>>) offsets(%dma_start3A_27 : memref<128xi32, #tpu.memory_space<vmem>>) semaphore(%arg18 : memref<!tpu.dma_semaphore, #tpu.memory_space<semaphore_mem>>)
    %dma_start3A_31 = arith.constant 2 : i32
    %dma_start3A_32 = arith.constant 0 : i32
    %dma_start3A_33 = tpu.memref_slice %arg8[%dma_start3A_31, %dma_start3A_32] : memref<160x128xi32, #tpu.memory_space<vmem>> -> memref<1x128xi32, #tpu.memory_space<vmem>>
    %dma_start3A_34 = tpu.memref_squeeze %dma_start3A_33 : memref<1x128xi32, #tpu.memory_space<vmem>> -> memref<128xi32, #tpu.memory_space<vmem>>
    %dma_start3A_35 = arith.constant 0 : i32
    %dma_start3A_36 = arith.constant 0 : i32
    %dma_start3A_37 = tpu.memref_slice %arg11[%dma_start3A_35, %dma_start3A_36] : memref<10000x32xf32, #tpu.memory_space<vmem_shared>> -> memref<10000x32xf32, #tpu.memory_space<vmem_shared>>
    tpu.enqueue_indirect_dma source(%dma_start3A_37 : memref<10000x32xf32, #tpu.memory_space<vmem_shared>>) target(%arg15 : memref<128x32xf32, #tpu.memory_space<vmem>>) offsets(%dma_start3A_34 : memref<128xi32, #tpu.memory_space<vmem>>) semaphore(%arg19 : memref<!tpu.dma_semaphore, #tpu.memory_space<semaphore_mem>>)
    %dma_start3A_38 = arith.constant 3 : i32
    %dma_start3A_39 = arith.constant 0 : i32
    %dma_start3A_40 = tpu.memref_slice %arg8[%dma_start3A_38, %dma_start3A_39] : memref<160x128xi32, #tpu.memory_space<vmem>> -> memref<1x128xi32, #tpu.memory_space<vmem>>
    %dma_start3A_41 = tpu.memref_squeeze %dma_start3A_40 : memref<1x128xi32, #tpu.memory_space<vmem>> -> memref<128xi32, #tpu.memory_space<vmem>>
    %dma_start3A_42 = arith.constant 0 : i32
    %dma_start3A_43 = arith.constant 0 : i32
    %dma_start3A_44 = tpu.memref_slice %arg11[%dma_start3A_42, %dma_start3A_43] : memref<10000x32xf32, #tpu.memory_space<vmem_shared>> -> memref<10000x32xf32, #tpu.memory_space<vmem_shared>>
    tpu.enqueue_indirect_dma source(%dma_start3A_44 : memref<10000x32xf32, #tpu.memory_space<vmem_shared>>) target(%arg16 : memref<128x32xf32, #tpu.memory_space<vmem>>) offsets(%dma_start3A_41 : memref<128xi32, #tpu.memory_space<vmem>>) semaphore(%arg20 : memref<!tpu.dma_semaphore, #tpu.memory_space<semaphore_mem>>)
    %broadcast_in_dim3A_45 = arith.constant 1.000000e+00 : f32
    %broadcast_in_dim3A_46 = vector.broadcast %broadcast_in_dim3A_45 : f32 to vector<16xf32>
    %scan3A_47 = arith.constant 0 : i32
    %scan3A_48 = arith.constant 0 : i32
    %scan3A_49 = arith.constant 80 : i32
    %scan3A_50 = arith.addi %scan3A_48, %scan3A_49 : i32
    %scan3A_51 = arith.constant 1 : i32
    scf.for %scan3A_69 = %scan3A_48 to %scan3A_50 step %scan3A_51  : i32 {
      %mul3A_70 = arith.constant 80 : i32
      %mul3A_71 = arith.muli %arg0, %mul3A_70 : i32
      %add3A_72 = arith.addi %mul3A_71, %scan3A_69 : i32
      %get3A = arith.index_cast %add3A_72 : i32 to index
      %get3A_73 = arith.constant 0 : index
      %get3A_74 = tpu.vector_load %arg9[%get3A, %get3A_73] {strides = array<i32>} : memref<160x128xi32, #tpu.memory_space<vmem>>, vector<16xi32>,
      tpu.vector_store_idx %arg12[%get3A_74], %broadcast_in_dim3A_46 {add = true} : memref<10016xf32, #tpu.memory_space<vmem>>[vector<16xi32>], vector<16xf32>,
      %mul3A_75 = arith.constant 80 : i32
      %mul3A_76 = arith.muli %arg0, %mul3A_75 : i32
      %add3A_77 = arith.addi %mul3A_76, %scan3A_69 : i32
      %get3A_78 = arith.index_cast %add3A_77 : i32 to index
      %get3A_79 = arith.constant 16 : index
      %get3A_80 = tpu.vector_load %arg9[%get3A_78, %get3A_79] {strides = array<i32>} : memref<160x128xi32, #tpu.memory_space<vmem>>, vector<16xi32>,
      tpu.vector_store_idx %arg12[%get3A_80], %broadcast_in_dim3A_46 {add = true} : memref<10016xf32, #tpu.memory_space<vmem>>[vector<16xi32>], vector<16xf32>,
      %mul3A_81 = arith.constant 80 : i32
      %mul3A_82 = arith.muli %arg0, %mul3A_81 : i32
      %add3A_83 = arith.addi %mul3A_82, %scan3A_69 : i32
      %get3A_84 = arith.index_cast %add3A_83 : i32 to index
      %get3A_85 = arith.constant 32 : index
      %get3A_86 = tpu.vector_load %arg9[%get3A_84, %get3A_85] {strides = array<i32>} : memref<160x128xi32, #tpu.memory_space<vmem>>, vector<16xi32>,
      tpu.vector_store_idx %arg12[%get3A_86], %broadcast_in_dim3A_46 {add = true} : memref<10016xf32, #tpu.memory_space<vmem>>[vector<16xi32>], vector<16xf32>,
      %mul3A_87 = arith.constant 80 : i32
      %mul3A_88 = arith.muli %arg0, %mul3A_87 : i32
      %add3A_89 = arith.addi %mul3A_88, %scan3A_69 : i32
      %get3A_90 = arith.index_cast %add3A_89 : i32 to index
      %get3A_91 = arith.constant 48 : index
      %get3A_92 = tpu.vector_load %arg9[%get3A_90, %get3A_91] {strides = array<i32>} : memref<160x128xi32, #tpu.memory_space<vmem>>, vector<16xi32>,
      tpu.vector_store_idx %arg12[%get3A_92], %broadcast_in_dim3A_46 {add = true} : memref<10016xf32, #tpu.memory_space<vmem>>[vector<16xi32>], vector<16xf32>,
      %mul3A_93 = arith.constant 80 : i32
      %mul3A_94 = arith.muli %arg0, %mul3A_93 : i32
      %add3A_95 = arith.addi %mul3A_94, %scan3A_69 : i32
      %get3A_96 = arith.index_cast %add3A_95 : i32 to index
      %get3A_97 = arith.constant 64 : index
      %get3A_98 = tpu.vector_load %arg9[%get3A_96, %get3A_97] {strides = array<i32>} : memref<160x128xi32, #tpu.memory_space<vmem>>, vector<16xi32>,
      tpu.vector_store_idx %arg12[%get3A_98], %broadcast_in_dim3A_46 {add = true} : memref<10016xf32, #tpu.memory_space<vmem>>[vector<16xi32>], vector<16xf32>,
      %mul3A_99 = arith.constant 80 : i32
      %mul3A_100 = arith.muli %arg0, %mul3A_99 : i32
      %add3A_101 = arith.addi %mul3A_100, %scan3A_69 : i32
      %get3A_102 = arith.index_cast %add3A_101 : i32 to index
      %get3A_103 = arith.constant 80 : index
      %get3A_104 = tpu.vector_load %arg9[%get3A_102, %get3A_103] {strides = array<i32>} : memref<160x128xi32, #tpu.memory_space<vmem>>, vector<16xi32>,
      tpu.vector_store_idx %arg12[%get3A_104], %broadcast_in_dim3A_46 {add = true} : memref<10016xf32, #tpu.memory_space<vmem>>[vector<16xi32>], vector<16xf32>,
      %mul3A_105 = arith.constant 80 : i32
      %mul3A_106 = arith.muli %arg0, %mul3A_105 : i32
      %add3A_107 = arith.addi %mul3A_106, %scan3A_69 : i32
      %get3A_108 = arith.index_cast %add3A_107 : i32 to index
      %get3A_109 = arith.constant 96 : index
      %get3A_110 = tpu.vector_load %arg9[%get3A_108, %get3A_109] {strides = array<i32>} : memref<160x128xi32, #tpu.memory_space<vmem>>, vector<16xi32>,
      tpu.vector_store_idx %arg12[%get3A_110], %broadcast_in_dim3A_46 {add = true} : memref<10016xf32, #tpu.memory_space<vmem>>[vector<16xi32>], vector<16xf32>,
      %mul3A_111 = arith.constant 80 : i32
      %mul3A_112 = arith.muli %arg0, %mul3A_111 : i32
      %add3A_113 = arith.addi %mul3A_112, %scan3A_69 : i32
      %get3A_114 = arith.index_cast %add3A_113 : i32 to index
      %get3A_115 = arith.constant 112 : index
      %get3A_116 = tpu.vector_load %arg9[%get3A_114, %get3A_115] {strides = array<i32>} : memref<160x128xi32, #tpu.memory_space<vmem>>, vector<16xi32>,
      tpu.vector_store_idx %arg12[%get3A_116], %broadcast_in_dim3A_46 {add = true} : memref<10016xf32, #tpu.memory_space<vmem>>[vector<16xi32>], vector<16xf32>,
    }
    %scan3A_52 = arith.constant 80 : i32
    %scan3A_53 = arith.constant 0 : i32
    %scan3A_54 = arith.constant 0 : i32
    %scan3A_55 = arith.constant 40 : i32
    %scan3A_56 = arith.addi %scan3A_54, %scan3A_55 : i32
    %scan3A_57 = arith.constant 1 : i32
    scf.for %scan3A_69 = %scan3A_54 to %scan3A_56 step %scan3A_57  : i32 {
      %mul3A_70 = arith.constant 4 : i32
      %mul3A_71 = arith.muli %scan3A_69, %mul3A_70 : i32
      %add3A_72 = arith.constant 0 : i32
      %add3A_73 = arith.addi %mul3A_71, %add3A_72 : i32
      %dma_wait3A = arith.constant 0 : i32
      %dma_wait3A_74 = tpu.memref_slice %arg8[%add3A_73, %dma_wait3A] : memref<160x128xi32, #tpu.memory_space<vmem>> -> memref<1x128xi32, #tpu.memory_space<vmem>>
      %dma_wait3A_75 = tpu.memref_squeeze %dma_wait3A_74 : memref<1x128xi32, #tpu.memory_space<vmem>> -> memref<128xi32, #tpu.memory_space<vmem>>
      %dma_wait3A_76 = arith.constant 0 : i32
      %dma_wait3A_77 = arith.constant 0 : i32
      %dma_wait3A_78 = tpu.memref_slice %arg11[%dma_wait3A_76, %dma_wait3A_77] : memref<10000x32xf32, #tpu.memory_space<vmem_shared>> -> memref<10000x32xf32, #tpu.memory_space<vmem_shared>>
      tpu.wait_indirect_dma semaphore(%arg17 : memref<!tpu.dma_semaphore, #tpu.memory_space<semaphore_mem>>) src(%dma_wait3A_78 : memref<10000x32xf32, #tpu.memory_space<vmem_shared>>) dst(%arg13 : memref<128x32xf32, #tpu.memory_space<vmem>>)
      %dma_start3A_79 = arith.constant 0 : i32
      %dma_start3A_80 = tpu.memref_slice %arg9[%add3A_73, %dma_start3A_79] : memref<160x128xi32, #tpu.memory_space<vmem>> -> memref<1x128xi32, #tpu.memory_space<vmem>>
      %dma_start3A_81 = tpu.memref_squeeze %dma_start3A_80 : memref<1x128xi32, #tpu.memory_space<vmem>> -> memref<128xi32, #tpu.memory_space<vmem>>
      %dma_start3A_82 = arith.constant 0 : i32
      %dma_start3A_83 = arith.constant 0 : i32
      %dma_start3A_84 = tpu.memref_slice %arg10[%dma_start3A_82, %dma_start3A_83] : memref<10008x32xf32, #tpu.memory_space<vmem_shared>> -> memref<10008x32xf32, #tpu.memory_space<vmem_shared>>
      tpu.enqueue_indirect_dma source(%arg13 : memref<128x32xf32, #tpu.memory_space<vmem>>) target(%dma_start3A_84 : memref<10008x32xf32, #tpu.memory_space<vmem_shared>>) offsets(%dma_start3A_81 : memref<128xi32, #tpu.memory_space<vmem>>) semaphore(%arg21 : memref<!tpu.dma_semaphore, #tpu.memory_space<semaphore_mem>>) {add = true}
      %dma_wait3A_85 = arith.constant 0 : i32
      %dma_wait3A_86 = tpu.memref_slice %arg9[%add3A_73, %dma_wait3A_85] : memref<160x128xi32, #tpu.memory_space<vmem>> -> memref<1x128xi32, #tpu.memory_space<vmem>>
      %dma_wait3A_87 = tpu.memref_squeeze %dma_wait3A_86 : memref<1x128xi32, #tpu.memory_space<vmem>> -> memref<128xi32, #tpu.memory_space<vmem>>
      %dma_wait3A_88 = arith.constant 0 : i32
      %dma_wait3A_89 = arith.constant 0 : i32
      %dma_wait3A_90 = tpu.memref_slice %arg10[%dma_wait3A_88, %dma_wait3A_89] : memref<10008x32xf32, #tpu.memory_space<vmem_shared>> -> memref<10008x32xf32, #tpu.memory_space<vmem_shared>>
      tpu.wait_indirect_dma semaphore(%arg21 : memref<!tpu.dma_semaphore, #tpu.memory_space<semaphore_mem>>) src(%arg13 : memref<128x32xf32, #tpu.memory_space<vmem>>) dst(%dma_wait3A_90 : memref<10008x32xf32, #tpu.memory_space<vmem_shared>>)
      %add3A_91 = arith.constant 4 : i32
      %add3A_92 = arith.addi %add3A_73, %add3A_91 : i32
      %lt3A = arith.constant 160 : i32
      %lt3A_93 = arith.cmpi slt, %add3A_92, %lt3A : i32
      %convert_element_type3A_94 = arith.extui %lt3A_93 : i1 to i32
      %cond3A_95 = arith.constant 0 : i32
      %cond3A_96 = arith.cmpi ne, %convert_element_type3A_94, %cond3A_95 : i32
      scf.if %cond3A_96 {
        %add3A_184 = arith.constant 4 : i32
        %add3A_185 = arith.addi %add3A_73, %add3A_184 : i32
        %dma_start3A_186 = arith.constant 0 : i32
        %dma_start3A_187 = tpu.memref_slice %arg8[%add3A_185, %dma_start3A_186] : memref<160x128xi32, #tpu.memory_space<vmem>> -> memref<1x128xi32, #tpu.memory_space<vmem>>
        %dma_start3A_188 = tpu.memref_squeeze %dma_start3A_187 : memref<1x128xi32, #tpu.memory_space<vmem>> -> memref<128xi32, #tpu.memory_space<vmem>>
        %dma_start3A_189 = arith.constant 0 : i32
        %dma_start3A_190 = arith.constant 0 : i32
        %dma_start3A_191 = tpu.memref_slice %arg11[%dma_start3A_189, %dma_start3A_190] : memref<10000x32xf32, #tpu.memory_space<vmem_shared>> -> memref<10000x32xf32, #tpu.memory_space<vmem_shared>>
        tpu.enqueue_indirect_dma source(%dma_start3A_191 : memref<10000x32xf32, #tpu.memory_space<vmem_shared>>) target(%arg13 : memref<128x32xf32, #tpu.memory_space<vmem>>) offsets(%dma_start3A_188 : memref<128xi32, #tpu.memory_space<vmem>>) semaphore(%arg17 : memref<!tpu.dma_semaphore, #tpu.memory_space<semaphore_mem>>)
      } else {
      }
      %mul3A_97 = arith.constant 4 : i32
      %mul3A_98 = arith.muli %scan3A_69, %mul3A_97 : i32
      %add3A_99 = arith.constant 1 : i32
      %add3A_100 = arith.addi %mul3A_98, %add3A_99 : i32
      %dma_wait3A_101 = arith.constant 0 : i32
      %dma_wait3A_102 = tpu.memref_slice %arg8[%add3A_100, %dma_wait3A_101] : memref<160x128xi32, #tpu.memory_space<vmem>> -> memref<1x128xi32, #tpu.memory_space<vmem>>
      %dma_wait3A_103 = tpu.memref_squeeze %dma_wait3A_102 : memref<1x128xi32, #tpu.memory_space<vmem>> -> memref<128xi32, #tpu.memory_space<vmem>>
      %dma_wait3A_104 = arith.constant 0 : i32
      %dma_wait3A_105 = arith.constant 0 : i32
      %dma_wait3A_106 = tpu.memref_slice %arg11[%dma_wait3A_104, %dma_wait3A_105] : memref<10000x32xf32, #tpu.memory_space<vmem_shared>> -> memref<10000x32xf32, #tpu.memory_space<vmem_shared>>
      tpu.wait_indirect_dma semaphore(%arg18 : memref<!tpu.dma_semaphore, #tpu.memory_space<semaphore_mem>>) src(%dma_wait3A_106 : memref<10000x32xf32, #tpu.memory_space<vmem_shared>>) dst(%arg14 : memref<128x32xf32, #tpu.memory_space<vmem>>)
      %dma_start3A_107 = arith.constant 0 : i32
      %dma_start3A_108 = tpu.memref_slice %arg9[%add3A_100, %dma_start3A_107] : memref<160x128xi32, #tpu.memory_space<vmem>> -> memref<1x128xi32, #tpu.memory_space<vmem>>
      %dma_start3A_109 = tpu.memref_squeeze %dma_start3A_108 : memref<1x128xi32, #tpu.memory_space<vmem>> -> memref<128xi32, #tpu.memory_space<vmem>>
      %dma_start3A_110 = arith.constant 0 : i32
      %dma_start3A_111 = arith.constant 0 : i32
      %dma_start3A_112 = tpu.memref_slice %arg10[%dma_start3A_110, %dma_start3A_111] : memref<10008x32xf32, #tpu.memory_space<vmem_shared>> -> memref<10008x32xf32, #tpu.memory_space<vmem_shared>>
      tpu.enqueue_indirect_dma source(%arg14 : memref<128x32xf32, #tpu.memory_space<vmem>>) target(%dma_start3A_112 : memref<10008x32xf32, #tpu.memory_space<vmem_shared>>) offsets(%dma_start3A_109 : memref<128xi32, #tpu.memory_space<vmem>>) semaphore(%arg22 : memref<!tpu.dma_semaphore, #tpu.memory_space<semaphore_mem>>) {add = true}
      %dma_wait3A_113 = arith.constant 0 : i32
      %dma_wait3A_114 = tpu.memref_slice %arg9[%add3A_100, %dma_wait3A_113] : memref<160x128xi32, #tpu.memory_space<vmem>> -> memref<1x128xi32, #tpu.memory_space<vmem>>
      %dma_wait3A_115 = tpu.memref_squeeze %dma_wait3A_114 : memref<1x128xi32, #tpu.memory_space<vmem>> -> memref<128xi32, #tpu.memory_space<vmem>>
      %dma_wait3A_116 = arith.constant 0 : i32
      %dma_wait3A_117 = arith.constant 0 : i32
      %dma_wait3A_118 = tpu.memref_slice %arg10[%dma_wait3A_116, %dma_wait3A_117] : memref<10008x32xf32, #tpu.memory_space<vmem_shared>> -> memref<10008x32xf32, #tpu.memory_space<vmem_shared>>
      tpu.wait_indirect_dma semaphore(%arg22 : memref<!tpu.dma_semaphore, #tpu.memory_space<semaphore_mem>>) src(%arg14 : memref<128x32xf32, #tpu.memory_space<vmem>>) dst(%dma_wait3A_118 : memref<10008x32xf32, #tpu.memory_space<vmem_shared>>)
      %add3A_119 = arith.constant 4 : i32
      %add3A_120 = arith.addi %add3A_100, %add3A_119 : i32
      %lt3A_121 = arith.constant 160 : i32
      %lt3A_122 = arith.cmpi slt, %add3A_120, %lt3A_121 : i32
      %convert_element_type3A_123 = arith.extui %lt3A_122 : i1 to i32
      %cond3A_124 = arith.constant 0 : i32
      %cond3A_125 = arith.cmpi ne, %convert_element_type3A_123, %cond3A_124 : i32
      scf.if %cond3A_125 {
        %add3A_184 = arith.constant 4 : i32
        %add3A_185 = arith.addi %add3A_100, %add3A_184 : i32
        %dma_start3A_186 = arith.constant 0 : i32
        %dma_start3A_187 = tpu.memref_slice %arg8[%add3A_185, %dma_start3A_186] : memref<160x128xi32, #tpu.memory_space<vmem>> -> memref<1x128xi32, #tpu.memory_space<vmem>>
        %dma_start3A_188 = tpu.memref_squeeze %dma_start3A_187 : memref<1x128xi32, #tpu.memory_space<vmem>> -> memref<128xi32, #tpu.memory_space<vmem>>
        %dma_start3A_189 = arith.constant 0 : i32
        %dma_start3A_190 = arith.constant 0 : i32
        %dma_start3A_191 = tpu.memref_slice %arg11[%dma_start3A_189, %dma_start3A_190] : memref<10000x32xf32, #tpu.memory_space<vmem_shared>> -> memref<10000x32xf32, #tpu.memory_space<vmem_shared>>
        tpu.enqueue_indirect_dma source(%dma_start3A_191 : memref<10000x32xf32, #tpu.memory_space<vmem_shared>>) target(%arg14 : memref<128x32xf32, #tpu.memory_space<vmem>>) offsets(%dma_start3A_188 : memref<128xi32, #tpu.memory_space<vmem>>) semaphore(%arg18 : memref<!tpu.dma_semaphore, #tpu.memory_space<semaphore_mem>>)
      } else {
      }
      %mul3A_126 = arith.constant 4 : i32
      %mul3A_127 = arith.muli %scan3A_69, %mul3A_126 : i32
      %add3A_128 = arith.constant 2 : i32
      %add3A_129 = arith.addi %mul3A_127, %add3A_128 : i32
      %dma_wait3A_130 = arith.constant 0 : i32
      %dma_wait3A_131 = tpu.memref_slice %arg8[%add3A_129, %dma_wait3A_130] : memref<160x128xi32, #tpu.memory_space<vmem>> -> memref<1x128xi32, #tpu.memory_space<vmem>>
      %dma_wait3A_132 = tpu.memref_squeeze %dma_wait3A_131 : memref<1x128xi32, #tpu.memory_space<vmem>> -> memref<128xi32, #tpu.memory_space<vmem>>
      %dma_wait3A_133 = arith.constant 0 : i32
      %dma_wait3A_134 = arith.constant 0 : i32
      %dma_wait3A_135 = tpu.memref_slice %arg11[%dma_wait3A_133, %dma_wait3A_134] : memref<10000x32xf32, #tpu.memory_space<vmem_shared>> -> memref<10000x32xf32, #tpu.memory_space<vmem_shared>>
      tpu.wait_indirect_dma semaphore(%arg19 : memref<!tpu.dma_semaphore, #tpu.memory_space<semaphore_mem>>) src(%dma_wait3A_135 : memref<10000x32xf32, #tpu.memory_space<vmem_shared>>) dst(%arg15 : memref<128x32xf32, #tpu.memory_space<vmem>>)
      %dma_start3A_136 = arith.constant 0 : i32
      %dma_start3A_137 = tpu.memref_slice %arg9[%add3A_129, %dma_start3A_136] : memref<160x128xi32, #tpu.memory_space<vmem>> -> memref<1x128xi32, #tpu.memory_space<vmem>>
      %dma_start3A_138 = tpu.memref_squeeze %dma_start3A_137 : memref<1x128xi32, #tpu.memory_space<vmem>> -> memref<128xi32, #tpu.memory_space<vmem>>
      %dma_start3A_139 = arith.constant 0 : i32
      %dma_start3A_140 = arith.constant 0 : i32
      %dma_start3A_141 = tpu.memref_slice %arg10[%dma_start3A_139, %dma_start3A_140] : memref<10008x32xf32, #tpu.memory_space<vmem_shared>> -> memref<10008x32xf32, #tpu.memory_space<vmem_shared>>
      tpu.enqueue_indirect_dma source(%arg15 : memref<128x32xf32, #tpu.memory_space<vmem>>) target(%dma_start3A_141 : memref<10008x32xf32, #tpu.memory_space<vmem_shared>>) offsets(%dma_start3A_138 : memref<128xi32, #tpu.memory_space<vmem>>) semaphore(%arg23 : memref<!tpu.dma_semaphore, #tpu.memory_space<semaphore_mem>>) {add = true}
      %dma_wait3A_142 = arith.constant 0 : i32
      %dma_wait3A_143 = tpu.memref_slice %arg9[%add3A_129, %dma_wait3A_142] : memref<160x128xi32, #tpu.memory_space<vmem>> -> memref<1x128xi32, #tpu.memory_space<vmem>>
      %dma_wait3A_144 = tpu.memref_squeeze %dma_wait3A_143 : memref<1x128xi32, #tpu.memory_space<vmem>> -> memref<128xi32, #tpu.memory_space<vmem>>
      %dma_wait3A_145 = arith.constant 0 : i32
      %dma_wait3A_146 = arith.constant 0 : i32
      %dma_wait3A_147 = tpu.memref_slice %arg10[%dma_wait3A_145, %dma_wait3A_146] : memref<10008x32xf32, #tpu.memory_space<vmem_shared>> -> memref<10008x32xf32, #tpu.memory_space<vmem_shared>>
      tpu.wait_indirect_dma semaphore(%arg23 : memref<!tpu.dma_semaphore, #tpu.memory_space<semaphore_mem>>) src(%arg15 : memref<128x32xf32, #tpu.memory_space<vmem>>) dst(%dma_wait3A_147 : memref<10008x32xf32, #tpu.memory_space<vmem_shared>>)
      %add3A_148 = arith.constant 4 : i32
      %add3A_149 = arith.addi %add3A_129, %add3A_148 : i32
      %lt3A_150 = arith.constant 160 : i32
      %lt3A_151 = arith.cmpi slt, %add3A_149, %lt3A_150 : i32
      %convert_element_type3A_152 = arith.extui %lt3A_151 : i1 to i32
      %cond3A_153 = arith.constant 0 : i32
      %cond3A_154 = arith.cmpi ne, %convert_element_type3A_152, %cond3A_153 : i32
      scf.if %cond3A_154 {
        %add3A_184 = arith.constant 4 : i32
        %add3A_185 = arith.addi %add3A_129, %add3A_184 : i32
        %dma_start3A_186 = arith.constant 0 : i32
        %dma_start3A_187 = tpu.memref_slice %arg8[%add3A_185, %dma_start3A_186] : memref<160x128xi32, #tpu.memory_space<vmem>> -> memref<1x128xi32, #tpu.memory_space<vmem>>
        %dma_start3A_188 = tpu.memref_squeeze %dma_start3A_187 : memref<1x128xi32, #tpu.memory_space<vmem>> -> memref<128xi32, #tpu.memory_space<vmem>>
        %dma_start3A_189 = arith.constant 0 : i32
        %dma_start3A_190 = arith.constant 0 : i32
        %dma_start3A_191 = tpu.memref_slice %arg11[%dma_start3A_189, %dma_start3A_190] : memref<10000x32xf32, #tpu.memory_space<vmem_shared>> -> memref<10000x32xf32, #tpu.memory_space<vmem_shared>>
        tpu.enqueue_indirect_dma source(%dma_start3A_191 : memref<10000x32xf32, #tpu.memory_space<vmem_shared>>) target(%arg15 : memref<128x32xf32, #tpu.memory_space<vmem>>) offsets(%dma_start3A_188 : memref<128xi32, #tpu.memory_space<vmem>>) semaphore(%arg19 : memref<!tpu.dma_semaphore, #tpu.memory_space<semaphore_mem>>)
      } else {
      }
      %mul3A_155 = arith.constant 4 : i32
      %mul3A_156 = arith.muli %scan3A_69, %mul3A_155 : i32
      %add3A_157 = arith.constant 3 : i32
      %add3A_158 = arith.addi %mul3A_156, %add3A_157 : i32
      %dma_wait3A_159 = arith.constant 0 : i32
      %dma_wait3A_160 = tpu.memref_slice %arg8[%add3A_158, %dma_wait3A_159] : memref<160x128xi32, #tpu.memory_space<vmem>> -> memref<1x128xi32, #tpu.memory_space<vmem>>
      %dma_wait3A_161 = tpu.memref_squeeze %dma_wait3A_160 : memref<1x128xi32, #tpu.memory_space<vmem>> -> memref<128xi32, #tpu.memory_space<vmem>>
      %dma_wait3A_162 = arith.constant 0 : i32
      %dma_wait3A_163 = arith.constant 0 : i32
      %dma_wait3A_164 = tpu.memref_slice %arg11[%dma_wait3A_162, %dma_wait3A_163] : memref<10000x32xf32, #tpu.memory_space<vmem_shared>> -> memref<10000x32xf32, #tpu.memory_space<vmem_shared>>
      tpu.wait_indirect_dma semaphore(%arg20 : memref<!tpu.dma_semaphore, #tpu.memory_space<semaphore_mem>>) src(%dma_wait3A_164 : memref<10000x32xf32, #tpu.memory_space<vmem_shared>>) dst(%arg16 : memref<128x32xf32, #tpu.memory_space<vmem>>)
      %dma_start3A_165 = arith.constant 0 : i32
      %dma_start3A_166 = tpu.memref_slice %arg9[%add3A_158, %dma_start3A_165] : memref<160x128xi32, #tpu.memory_space<vmem>> -> memref<1x128xi32, #tpu.memory_space<vmem>>
      %dma_start3A_167 = tpu.memref_squeeze %dma_start3A_166 : memref<1x128xi32, #tpu.memory_space<vmem>> -> memref<128xi32, #tpu.memory_space<vmem>>
      %dma_start3A_168 = arith.constant 0 : i32
      %dma_start3A_169 = arith.constant 0 : i32
      %dma_start3A_170 = tpu.memref_slice %arg10[%dma_start3A_168, %dma_start3A_169] : memref<10008x32xf32, #tpu.memory_space<vmem_shared>> -> memref<10008x32xf32, #tpu.memory_space<vmem_shared>>
      tpu.enqueue_indirect_dma source(%arg16 : memref<128x32xf32, #tpu.memory_space<vmem>>) target(%dma_start3A_170 : memref<10008x32xf32, #tpu.memory_space<vmem_shared>>) offsets(%dma_start3A_167 : memref<128xi32, #tpu.memory_space<vmem>>) semaphore(%arg24 : memref<!tpu.dma_semaphore, #tpu.memory_space<semaphore_mem>>) {add = true}
      %dma_wait3A_171 = arith.constant 0 : i32
      %dma_wait3A_172 = tpu.memref_slice %arg9[%add3A_158, %dma_wait3A_171] : memref<160x128xi32, #tpu.memory_space<vmem>> -> memref<1x128xi32, #tpu.memory_space<vmem>>
      %dma_wait3A_173 = tpu.memref_squeeze %dma_wait3A_172 : memref<1x128xi32, #tpu.memory_space<vmem>> -> memref<128xi32, #tpu.memory_space<vmem>>
      %dma_wait3A_174 = arith.constant 0 : i32
      %dma_wait3A_175 = arith.constant 0 : i32
      %dma_wait3A_176 = tpu.memref_slice %arg10[%dma_wait3A_174, %dma_wait3A_175] : memref<10008x32xf32, #tpu.memory_space<vmem_shared>> -> memref<10008x32xf32, #tpu.memory_space<vmem_shared>>
      tpu.wait_indirect_dma semaphore(%arg24 : memref<!tpu.dma_semaphore, #tpu.memory_space<semaphore_mem>>) src(%arg16 : memref<128x32xf32, #tpu.memory_space<vmem>>) dst(%dma_wait3A_176 : memref<10008x32xf32, #tpu.memory_space<vmem_shared>>)
      %add3A_177 = arith.constant 4 : i32
      %add3A_178 = arith.addi %add3A_158, %add3A_177 : i32
      %lt3A_179 = arith.constant 160 : i32
      %lt3A_180 = arith.cmpi slt, %add3A_178, %lt3A_179 : i32
      %convert_element_type3A_181 = arith.extui %lt3A_180 : i1 to i32
      %cond3A_182 = arith.constant 0 : i32
      %cond3A_183 = arith.cmpi ne, %convert_element_type3A_181, %cond3A_182 : i32
      scf.if %cond3A_183 {
        %add3A_184 = arith.constant 4 : i32
        %add3A_185 = arith.addi %add3A_158, %add3A_184 : i32
        %dma_start3A_186 = arith.constant 0 : i32
        %dma_start3A_187 = tpu.memref_slice %arg8[%add3A_185, %dma_start3A_186] : memref<160x128xi32, #tpu.memory_space<vmem>> -> memref<1x128xi32, #tpu.memory_space<vmem>>
        %dma_start3A_188 = tpu.memref_squeeze %dma_start3A_187 : memref<1x128xi32, #tpu.memory_space<vmem>> -> memref<128xi32, #tpu.memory_space<vmem>>
        %dma_start3A_189 = arith.constant 0 : i32
        %dma_start3A_190 = arith.constant 0 : i32
        %dma_start3A_191 = tpu.memref_slice %arg11[%dma_start3A_189, %dma_start3A_190] : memref<10000x32xf32, #tpu.memory_space<vmem_shared>> -> memref<10000x32xf32, #tpu.memory_space<vmem_shared>>
        tpu.enqueue_indirect_dma source(%dma_start3A_191 : memref<10000x32xf32, #tpu.memory_space<vmem_shared>>) target(%arg16 : memref<128x32xf32, #tpu.memory_space<vmem>>) offsets(%dma_start3A_188 : memref<128xi32, #tpu.memory_space<vmem>>) semaphore(%arg20 : memref<!tpu.dma_semaphore, #tpu.memory_space<semaphore_mem>>)
      } else {
      }
    }
    %scan3A_58 = arith.constant 40 : i32
    %run_scoped3A = arith.constant 0 : i32
    "tpu.region"() ({
      %run_scoped3A_69 = tpu.sem_alloc : memref<!tpu.dma_semaphore, #tpu.memory_space<semaphore_mem>>
      %dma_start3A_70 = arith.constant 0 : i32
      %dma_start3A_71 = tpu.memref_slice %arg7[%add3A, %run_scoped3A, %dma_start3A_70] : memref<32x1x10016xf32, #tpu.memory_space<hbm>> -> memref<1x1x10016xf32, #tpu.memory_space<hbm>>
      %dma_start3A_72 = tpu.memref_squeeze %dma_start3A_71 : memref<1x1x10016xf32, #tpu.memory_space<hbm>> -> memref<10016xf32, #tpu.memory_space<hbm>>
      %dma_start3A_73 = arith.constant 0 : i32
      %dma_start3A_74 = tpu.memref_slice %arg7[%add3A, %run_scoped3A, %dma_start3A_73] : memref<32x1x10016xf32, #tpu.memory_space<hbm>> -> memref<1x1x10016xf32, #tpu.memory_space<hbm>>
      %dma_start3A_75 = tpu.memref_squeeze %dma_start3A_74 : memref<1x1x10016xf32, #tpu.memory_space<hbm>> -> memref<10016xf32, #tpu.memory_space<hbm>>
      tpu.enqueue_dma source(%arg12 : memref<10016xf32, #tpu.memory_space<vmem>>) target(%dma_start3A_75 : memref<10016xf32, #tpu.memory_space<hbm>>) target_semaphore(%run_scoped3A_69 : memref<!tpu.dma_semaphore, #tpu.memory_space<semaphore_mem>>)
      %dma_wait3A = arith.constant 0 : i32
      %dma_wait3A_76 = tpu.memref_slice %arg7[%add3A, %run_scoped3A, %dma_wait3A] : memref<32x1x10016xf32, #tpu.memory_space<hbm>> -> memref<1x1x10016xf32, #tpu.memory_space<hbm>>
      %dma_wait3A_77 = tpu.memref_squeeze %dma_wait3A_76 : memref<1x1x10016xf32, #tpu.memory_space<hbm>> -> memref<10016xf32, #tpu.memory_space<hbm>>
      %dma_wait3A_78 = arith.constant 0 : i32
      %dma_wait3A_79 = tpu.memref_slice %arg7[%add3A, %run_scoped3A, %dma_wait3A_78] : memref<32x1x10016xf32, #tpu.memory_space<hbm>> -> memref<1x1x10016xf32, #tpu.memory_space<hbm>>
      %dma_wait3A_80 = tpu.memref_squeeze %dma_wait3A_79 : memref<1x1x10016xf32, #tpu.memory_space<hbm>> -> memref<10016xf32, #tpu.memory_space<hbm>>
      tpu.wait_dma2 semaphore(%run_scoped3A_69 : memref<!tpu.dma_semaphore, #tpu.memory_space<semaphore_mem>>) src(%arg12 : memref<10016xf32, #tpu.memory_space<vmem>>) dst(%dma_wait3A_80 : memref<10016xf32, #tpu.memory_space<hbm>>)
      tpu.yield
    }) : () -> ()
    %barrier3A_59 = arith.constant 0 : index
    tpu.barrier barrier_id(%barrier3A_59)
    %mul3A_60 = arith.constant 624 : i32
    %mul3A_61 = arith.muli %arg1, %mul3A_60 : i32
    %mul3A_62 = arith.constant 624 : i32
    %mul3A_63 = arith.muli %arg1, %mul3A_62 : i32
    "tpu.region"() ({
      %run_scoped3A_69 = tpu.sem_alloc : memref<!tpu.dma_semaphore, #tpu.memory_space<semaphore_mem>>
      %dma_start3A_70 = arith.constant 0 : i32
      %dma_start3A_71 = tpu.memref_slice %arg6[%arg0, %mul3A_63, %dma_start3A_70] : memref<2x10000x32xf32, #tpu.memory_space<hbm>> -> memref<1x624x32xf32, #tpu.memory_space<hbm>>
      %dma_start3A_72 = tpu.memref_squeeze %dma_start3A_71 : memref<1x624x32xf32, #tpu.memory_space<hbm>> -> memref<624x32xf32, #tpu.memory_space<hbm>>
      %dma_start3A_73 = arith.constant 0 : i32
      %dma_start3A_74 = tpu.memref_slice %arg10[%mul3A_61, %dma_start3A_73] : memref<10008x32xf32, #tpu.memory_space<vmem_shared>> -> memref<624x32xf32, #tpu.memory_space<vmem_shared>>
      tpu.enqueue_dma source(%dma_start3A_74 : memref<624x32xf32, #tpu.memory_space<vmem_shared>>) target(%dma_start3A_72 : memref<624x32xf32, #tpu.memory_space<hbm>>) target_semaphore(%run_scoped3A_69 : memref<!tpu.dma_semaphore, #tpu.memory_space<semaphore_mem>>)
      %dma_wait3A = arith.constant 0 : i32
      %dma_wait3A_75 = tpu.memref_slice %arg6[%arg0, %mul3A_63, %dma_wait3A] : memref<2x10000x32xf32, #tpu.memory_space<hbm>> -> memref<1x624x32xf32, #tpu.memory_space<hbm>>
      %dma_wait3A_76 = tpu.memref_squeeze %dma_wait3A_75 : memref<1x624x32xf32, #tpu.memory_space<hbm>> -> memref<624x32xf32, #tpu.memory_space<hbm>>
      %dma_wait3A_77 = arith.constant 0 : i32
      %dma_wait3A_78 = tpu.memref_slice %arg10[%mul3A_61, %dma_wait3A_77] : memref<10008x32xf32, #tpu.memory_space<vmem_shared>> -> memref<624x32xf32, #tpu.memory_space<vmem_shared>>
      tpu.wait_dma2 semaphore(%run_scoped3A_69 : memref<!tpu.dma_semaphore, #tpu.memory_space<semaphore_mem>>) src(%dma_wait3A_78 : memref<624x32xf32, #tpu.memory_space<vmem_shared>>) dst(%dma_wait3A_76 : memref<624x32xf32, #tpu.memory_space<hbm>>)
      tpu.yield
    }) : () -> ()
    %eq3A_64 = arith.constant 0 : i32
    %eq3A_65 = arith.cmpi eq, %arg1, %eq3A_64 : i32
    %convert_element_type3A_66 = arith.extui %eq3A_65 : i1 to i32
    %cond3A_67 = arith.constant 0 : i32
    %cond3A_68 = arith.cmpi ne, %convert_element_type3A_66, %cond3A_67 : i32
    scf.if %cond3A_68 {
      "tpu.region"() ({
        %run_scoped3A_69 = tpu.sem_alloc : memref<!tpu.dma_semaphore, #tpu.memory_space<semaphore_mem>>
        %dma_start3A_70 = arith.constant 9984 : i32
        %dma_start3A_71 = arith.constant 0 : i32
        %dma_start3A_72 = tpu.memref_slice %arg6[%arg0, %dma_start3A_70, %dma_start3A_71] : memref<2x10000x32xf32, #tpu.memory_space<hbm>> -> memref<1x16x32xf32, #tpu.memory_space<hbm>>
        %dma_start3A_73 = tpu.memref_squeeze %dma_start3A_72 : memref<1x16x32xf32, #tpu.memory_space<hbm>> -> memref<16x32xf32, #tpu.memory_space<hbm>>
        %dma_start3A_74 = arith.constant 9984 : i32
        %dma_start3A_75 = arith.constant 0 : i32
        %dma_start3A_76 = tpu.memref_slice %arg10[%dma_start3A_74, %dma_start3A_75] : memref<10008x32xf32, #tpu.memory_space<vmem_shared>> -> memref<16x32xf32, #tpu.memory_space<vmem_shared>>
        tpu.enqueue_dma source(%dma_start3A_76 : memref<16x32xf32, #tpu.memory_space<vmem_shared>>) target(%dma_start3A_73 : memref<16x32xf32, #tpu.memory_space<hbm>>) target_semaphore(%run_scoped3A_69 : memref<!tpu.dma_semaphore, #tpu.memory_space<semaphore_mem>>)
        %dma_wait3A = arith.constant 9984 : i32
        %dma_wait3A_77 = arith.constant 0 : i32
        %dma_wait3A_78 = tpu.memref_slice %arg6[%arg0, %dma_wait3A, %dma_wait3A_77] : memref<2x10000x32xf32, #tpu.memory_space<hbm>> -> memref<1x16x32xf32, #tpu.memory_space<hbm>>
        %dma_wait3A_79 = tpu.memref_squeeze %dma_wait3A_78 : memref<1x16x32xf32, #tpu.memory_space<hbm>> -> memref<16x32xf32, #tpu.memory_space<hbm>>
        %dma_wait3A_80 = arith.constant 9984 : i32
        %dma_wait3A_81 = arith.constant 0 : i32
        %dma_wait3A_82 = tpu.memref_slice %arg10[%dma_wait3A_80, %dma_wait3A_81] : memref<10008x32xf32, #tpu.memory_space<vmem_shared>> -> memref<16x32xf32, #tpu.memory_space<vmem_shared>>
        tpu.wait_dma2 semaphore(%run_scoped3A_69 : memref<!tpu.dma_semaphore, #tpu.memory_space<semaphore_mem>>) src(%dma_wait3A_82 : memref<16x32xf32, #tpu.memory_space<vmem_shared>>) dst(%dma_wait3A_79 : memref<16x32xf32, #tpu.memory_space<hbm>>)
        tpu.yield
      }) : () -> ()
    } else {
    }
    return
  }
}

#map = affine_map<(d0, d1) -> (0, 0, 0)>
#map1 = affine_map<(d0, d1) -> (0, 0)>
module attributes {stable_mosaic.version = 14 : i64} {
  func.func @body(%arg0: i32, %arg1: i32, %arg2: memref<2x10000x32xf32, #tpu.memory_space<hbm>>, %arg3: memref<2560x128xi32, #tpu.memory_space<hbm>>, %arg4: memref<2560x128xi32, #tpu.memory_space<hbm>>, %arg5: memref<10008x32xf32, #tpu.memory_space<hbm>>, %arg6: memref<2x10000x32xf32, #tpu.memory_space<hbm>>, %arg7: memref<160x128xi32, #tpu.memory_space<vmem>>, %arg8: memref<160x128xi32, #tpu.memory_space<vmem>>, %arg9: memref<10008x32xf32, #tpu.memory_space<vmem_shared>>, %arg10: memref<10000x32xf32, #tpu.memory_space<vmem_shared>>, %arg11: memref<128x32xf32, #tpu.memory_space<vmem>>, %arg12: memref<128x32xf32, #tpu.memory_space<vmem>>, %arg13: memref<128x32xf32, #tpu.memory_space<vmem>>, %arg14: memref<128x32xf32, #tpu.memory_space<vmem>>, %arg15: memref<!tpu.dma_semaphore, #tpu.memory_space<semaphore_mem>>, %arg16: memref<!tpu.dma_semaphore, #tpu.memory_space<semaphore_mem>>, %arg17: memref<!tpu.dma_semaphore, #tpu.memory_space<semaphore_mem>>, %arg18: memref<!tpu.dma_semaphore, #tpu.memory_space<semaphore_mem>>, %arg19: memref<!tpu.dma_semaphore, #tpu.memory_space<semaphore_mem>>, %arg20: memref<!tpu.dma_semaphore, #tpu.memory_space<semaphore_mem>>, %arg21: memref<!tpu.dma_semaphore, #tpu.memory_space<semaphore_mem>>, %arg22: memref<!tpu.dma_semaphore, #tpu.memory_space<semaphore_mem>>) attributes {dimension_semantics = [#tpu.dimension_semantics<core_parallel>, #tpu.dimension_semantics<subcore_parallel>], iteration_bounds = array<i64: 2, 16>, scalar_prefetch = 0 : i64, scratch_operands = 16 : i64, tpu.core_type = #tpu.core_type<sc_vector_subcore>, window_params = [{transform_indices = #map}, {transform_indices = #map1}, {transform_indices = #map1}, {transform_indices = #map1}, {transform_indices = #map}]} {
    %mul3A = arith.constant 2 : i32
    %mul3A_0 = arith.muli %arg1, %mul3A : i32
    %add3A = arith.addi %mul3A_0, %arg0 : i32
    %mul3A_1 = arith.constant 160 : i32
    %mul3A_2 = arith.muli %arg1, %mul3A_1 : i32
    "tpu.region"() ({
      %run_scoped3A = tpu.sem_alloc : memref<!tpu.dma_semaphore, #tpu.memory_space<semaphore_mem>>
      %dma_start3A_54 = arith.constant 0 : i32
      %dma_start3A_55 = tpu.memref_slice %arg3[%mul3A_2, %dma_start3A_54] : memref<2560x128xi32, #tpu.memory_space<hbm>> -> memref<160x128xi32, #tpu.memory_space<hbm>>
      %dma_start3A_56 = arith.constant 0 : i32
      %dma_start3A_57 = tpu.memref_slice %arg3[%mul3A_2, %dma_start3A_56] : memref<2560x128xi32, #tpu.memory_space<hbm>> -> memref<160x128xi32, #tpu.memory_space<hbm>>
      tpu.enqueue_dma source(%dma_start3A_57 : memref<160x128xi32, #tpu.memory_space<hbm>>) target(%arg7 : memref<160x128xi32, #tpu.memory_space<vmem>>) target_semaphore(%run_scoped3A : memref<!tpu.dma_semaphore, #tpu.memory_space<semaphore_mem>>)
      %dma_wait3A = arith.constant 0 : i32
      %dma_wait3A_58 = tpu.memref_slice %arg3[%mul3A_2, %dma_wait3A] : memref<2560x128xi32, #tpu.memory_space<hbm>> -> memref<160x128xi32, #tpu.memory_space<hbm>>
      %dma_wait3A_59 = arith.constant 0 : i32
      %dma_wait3A_60 = tpu.memref_slice %arg3[%mul3A_2, %dma_wait3A_59] : memref<2560x128xi32, #tpu.memory_space<hbm>> -> memref<160x128xi32, #tpu.memory_space<hbm>>
      tpu.wait_dma2 semaphore(%run_scoped3A : memref<!tpu.dma_semaphore, #tpu.memory_space<semaphore_mem>>) src(%dma_wait3A_60 : memref<160x128xi32, #tpu.memory_space<hbm>>) dst(%arg7 : memref<160x128xi32, #tpu.memory_space<vmem>>)
      tpu.yield
    }) : () -> ()
    %mul3A_3 = arith.constant 160 : i32
    %mul3A_4 = arith.muli %arg1, %mul3A_3 : i32
    "tpu.region"() ({
      %run_scoped3A = tpu.sem_alloc : memref<!tpu.dma_semaphore, #tpu.memory_space<semaphore_mem>>
      %dma_start3A_54 = arith.constant 0 : i32
      %dma_start3A_55 = tpu.memref_slice %arg4[%mul3A_4, %dma_start3A_54] : memref<2560x128xi32, #tpu.memory_space<hbm>> -> memref<160x128xi32, #tpu.memory_space<hbm>>
      %dma_start3A_56 = arith.constant 0 : i32
      %dma_start3A_57 = tpu.memref_slice %arg4[%mul3A_4, %dma_start3A_56] : memref<2560x128xi32, #tpu.memory_space<hbm>> -> memref<160x128xi32, #tpu.memory_space<hbm>>
      tpu.enqueue_dma source(%dma_start3A_57 : memref<160x128xi32, #tpu.memory_space<hbm>>) target(%arg8 : memref<160x128xi32, #tpu.memory_space<vmem>>) target_semaphore(%run_scoped3A : memref<!tpu.dma_semaphore, #tpu.memory_space<semaphore_mem>>)
      %dma_wait3A = arith.constant 0 : i32
      %dma_wait3A_58 = tpu.memref_slice %arg4[%mul3A_4, %dma_wait3A] : memref<2560x128xi32, #tpu.memory_space<hbm>> -> memref<160x128xi32, #tpu.memory_space<hbm>>
      %dma_wait3A_59 = arith.constant 0 : i32
      %dma_wait3A_60 = tpu.memref_slice %arg4[%mul3A_4, %dma_wait3A_59] : memref<2560x128xi32, #tpu.memory_space<hbm>> -> memref<160x128xi32, #tpu.memory_space<hbm>>
      tpu.wait_dma2 semaphore(%run_scoped3A : memref<!tpu.dma_semaphore, #tpu.memory_space<semaphore_mem>>) src(%dma_wait3A_60 : memref<160x128xi32, #tpu.memory_space<hbm>>) dst(%arg8 : memref<160x128xi32, #tpu.memory_space<vmem>>)
      tpu.yield
    }) : () -> ()
    %eq3A = arith.constant 0 : i32
    %eq3A_5 = arith.cmpi eq, %arg1, %eq3A : i32
    %convert_element_type3A = arith.extui %eq3A_5 : i1 to i32
    %cond3A = arith.constant 0 : i32
    %cond3A_6 = arith.cmpi ne, %convert_element_type3A, %cond3A : i32
    scf.if %cond3A_6 {
      "tpu.region"() ({
        %run_scoped3A = tpu.sem_alloc : memref<!tpu.dma_semaphore, #tpu.memory_space<semaphore_mem>>
        tpu.enqueue_dma source(%arg5 : memref<10008x32xf32, #tpu.memory_space<hbm>>) target(%arg9 : memref<10008x32xf32, #tpu.memory_space<vmem_shared>>) target_semaphore(%run_scoped3A : memref<!tpu.dma_semaphore, #tpu.memory_space<semaphore_mem>>)
        tpu.wait_dma2 semaphore(%run_scoped3A : memref<!tpu.dma_semaphore, #tpu.memory_space<semaphore_mem>>) src(%arg5 : memref<10008x32xf32, #tpu.memory_space<hbm>>) dst(%arg9 : memref<10008x32xf32, #tpu.memory_space<vmem_shared>>)
        tpu.yield
      }) : () -> ()
    } else {
    }
    %eq3A_7 = arith.constant 1 : i32
    %eq3A_8 = arith.cmpi eq, %arg1, %eq3A_7 : i32
    %convert_element_type3A_9 = arith.extui %eq3A_8 : i1 to i32
    %cond3A_10 = arith.constant 0 : i32
    %cond3A_11 = arith.cmpi ne, %convert_element_type3A_9, %cond3A_10 : i32
    scf.if %cond3A_11 {
      "tpu.region"() ({
        %run_scoped3A = tpu.sem_alloc : memref<!tpu.dma_semaphore, #tpu.memory_space<semaphore_mem>>
        %dma_start3A_54 = arith.constant 0 : i32
        %dma_start3A_55 = arith.constant 0 : i32
        %dma_start3A_56 = tpu.memref_slice %arg2[%arg0, %dma_start3A_54, %dma_start3A_55] : memref<2x10000x32xf32, #tpu.memory_space<hbm>> -> memref<1x10000x32xf32, #tpu.memory_space<hbm>>
        %dma_start3A_57 = tpu.memref_squeeze %dma_start3A_56 : memref<1x10000x32xf32, #tpu.memory_space<hbm>> -> memref<10000x32xf32, #tpu.memory_space<hbm>>
        tpu.enqueue_dma source(%dma_start3A_57 : memref<10000x32xf32, #tpu.memory_space<hbm>>) target(%arg10 : memref<10000x32xf32, #tpu.memory_space<vmem_shared>>) target_semaphore(%run_scoped3A : memref<!tpu.dma_semaphore, #tpu.memory_space<semaphore_mem>>)
        %dma_wait3A = arith.constant 0 : i32
        %dma_wait3A_58 = arith.constant 0 : i32
        %dma_wait3A_59 = tpu.memref_slice %arg2[%arg0, %dma_wait3A, %dma_wait3A_58] : memref<2x10000x32xf32, #tpu.memory_space<hbm>> -> memref<1x10000x32xf32, #tpu.memory_space<hbm>>
        %dma_wait3A_60 = tpu.memref_squeeze %dma_wait3A_59 : memref<1x10000x32xf32, #tpu.memory_space<hbm>> -> memref<10000x32xf32, #tpu.memory_space<hbm>>
        tpu.wait_dma2 semaphore(%run_scoped3A : memref<!tpu.dma_semaphore, #tpu.memory_space<semaphore_mem>>) src(%dma_wait3A_60 : memref<10000x32xf32, #tpu.memory_space<hbm>>) dst(%arg10 : memref<10000x32xf32, #tpu.memory_space<vmem_shared>>)
        tpu.yield
      }) : () -> ()
    } else {
    }
    %barrier3A = arith.constant 0 : index
    tpu.barrier barrier_id(%barrier3A)
    %dma_start3A = arith.constant 0 : i32
    %dma_start3A_12 = arith.constant 0 : i32
    %dma_start3A_13 = tpu.memref_slice %arg7[%dma_start3A, %dma_start3A_12] : memref<160x128xi32, #tpu.memory_space<vmem>> -> memref<1x128xi32, #tpu.memory_space<vmem>>
    %dma_start3A_14 = tpu.memref_squeeze %dma_start3A_13 : memref<1x128xi32, #tpu.memory_space<vmem>> -> memref<128xi32, #tpu.memory_space<vmem>>
    %dma_start3A_15 = arith.constant 0 : i32
    %dma_start3A_16 = arith.constant 0 : i32
    %dma_start3A_17 = tpu.memref_slice %arg10[%dma_start3A_15, %dma_start3A_16] : memref<10000x32xf32, #tpu.memory_space<vmem_shared>> -> memref<10000x32xf32, #tpu.memory_space<vmem_shared>>
    tpu.enqueue_indirect_dma source(%dma_start3A_17 : memref<10000x32xf32, #tpu.memory_space<vmem_shared>>) target(%arg11 : memref<128x32xf32, #tpu.memory_space<vmem>>) offsets(%dma_start3A_14 : memref<128xi32, #tpu.memory_space<vmem>>) semaphore(%arg15 : memref<!tpu.dma_semaphore, #tpu.memory_space<semaphore_mem>>)
    %dma_start3A_18 = arith.constant 1 : i32
    %dma_start3A_19 = arith.constant 0 : i32
    %dma_start3A_20 = tpu.memref_slice %arg7[%dma_start3A_18, %dma_start3A_19] : memref<160x128xi32, #tpu.memory_space<vmem>> -> memref<1x128xi32, #tpu.memory_space<vmem>>
    %dma_start3A_21 = tpu.memref_squeeze %dma_start3A_20 : memref<1x128xi32, #tpu.memory_space<vmem>> -> memref<128xi32, #tpu.memory_space<vmem>>
    %dma_start3A_22 = arith.constant 0 : i32
    %dma_start3A_23 = arith.constant 0 : i32
    %dma_start3A_24 = tpu.memref_slice %arg10[%dma_start3A_22, %dma_start3A_23] : memref<10000x32xf32, #tpu.memory_space<vmem_shared>> -> memref<10000x32xf32, #tpu.memory_space<vmem_shared>>
    tpu.enqueue_indirect_dma source(%dma_start3A_24 : memref<10000x32xf32, #tpu.memory_space<vmem_shared>>) target(%arg12 : memref<128x32xf32, #tpu.memory_space<vmem>>) offsets(%dma_start3A_21 : memref<128xi32, #tpu.memory_space<vmem>>) semaphore(%arg16 : memref<!tpu.dma_semaphore, #tpu.memory_space<semaphore_mem>>)
    %dma_start3A_25 = arith.constant 2 : i32
    %dma_start3A_26 = arith.constant 0 : i32
    %dma_start3A_27 = tpu.memref_slice %arg7[%dma_start3A_25, %dma_start3A_26] : memref<160x128xi32, #tpu.memory_space<vmem>> -> memref<1x128xi32, #tpu.memory_space<vmem>>
    %dma_start3A_28 = tpu.memref_squeeze %dma_start3A_27 : memref<1x128xi32, #tpu.memory_space<vmem>> -> memref<128xi32, #tpu.memory_space<vmem>>
    %dma_start3A_29 = arith.constant 0 : i32
    %dma_start3A_30 = arith.constant 0 : i32
    %dma_start3A_31 = tpu.memref_slice %arg10[%dma_start3A_29, %dma_start3A_30] : memref<10000x32xf32, #tpu.memory_space<vmem_shared>> -> memref<10000x32xf32, #tpu.memory_space<vmem_shared>>
    tpu.enqueue_indirect_dma source(%dma_start3A_31 : memref<10000x32xf32, #tpu.memory_space<vmem_shared>>) target(%arg13 : memref<128x32xf32, #tpu.memory_space<vmem>>) offsets(%dma_start3A_28 : memref<128xi32, #tpu.memory_space<vmem>>) semaphore(%arg17 : memref<!tpu.dma_semaphore, #tpu.memory_space<semaphore_mem>>)
    %dma_start3A_32 = arith.constant 3 : i32
    %dma_start3A_33 = arith.constant 0 : i32
    %dma_start3A_34 = tpu.memref_slice %arg7[%dma_start3A_32, %dma_start3A_33] : memref<160x128xi32, #tpu.memory_space<vmem>> -> memref<1x128xi32, #tpu.memory_space<vmem>>
    %dma_start3A_35 = tpu.memref_squeeze %dma_start3A_34 : memref<1x128xi32, #tpu.memory_space<vmem>> -> memref<128xi32, #tpu.memory_space<vmem>>
    %dma_start3A_36 = arith.constant 0 : i32
    %dma_start3A_37 = arith.constant 0 : i32
    %dma_start3A_38 = tpu.memref_slice %arg10[%dma_start3A_36, %dma_start3A_37] : memref<10000x32xf32, #tpu.memory_space<vmem_shared>> -> memref<10000x32xf32, #tpu.memory_space<vmem_shared>>
    tpu.enqueue_indirect_dma source(%dma_start3A_38 : memref<10000x32xf32, #tpu.memory_space<vmem_shared>>) target(%arg14 : memref<128x32xf32, #tpu.memory_space<vmem>>) offsets(%dma_start3A_35 : memref<128xi32, #tpu.memory_space<vmem>>) semaphore(%arg18 : memref<!tpu.dma_semaphore, #tpu.memory_space<semaphore_mem>>)
    %scan3A = arith.constant 0 : i32
    %scan3A_39 = arith.constant 0 : i32
    %scan3A_40 = arith.constant 40 : i32
    %scan3A_41 = arith.addi %scan3A_39, %scan3A_40 : i32
    %scan3A_42 = arith.constant 1 : i32
    scf.for %scan3A_54 = %scan3A_39 to %scan3A_41 step %scan3A_42  : i32 {
      %mul3A_55 = arith.constant 4 : i32
      %mul3A_56 = arith.muli %scan3A_54, %mul3A_55 : i32
      %add3A_57 = arith.constant 0 : i32
      %add3A_58 = arith.addi %mul3A_56, %add3A_57 : i32
      %dma_wait3A = arith.constant 0 : i32
      %dma_wait3A_59 = tpu.memref_slice %arg7[%add3A_58, %dma_wait3A] : memref<160x128xi32, #tpu.memory_space<vmem>> -> memref<1x128xi32, #tpu.memory_space<vmem>>
      %dma_wait3A_60 = tpu.memref_squeeze %dma_wait3A_59 : memref<1x128xi32, #tpu.memory_space<vmem>> -> memref<128xi32, #tpu.memory_space<vmem>>
      %dma_wait3A_61 = arith.constant 0 : i32
      %dma_wait3A_62 = arith.constant 0 : i32
      %dma_wait3A_63 = tpu.memref_slice %arg10[%dma_wait3A_61, %dma_wait3A_62] : memref<10000x32xf32, #tpu.memory_space<vmem_shared>> -> memref<10000x32xf32, #tpu.memory_space<vmem_shared>>
      tpu.wait_indirect_dma semaphore(%arg15 : memref<!tpu.dma_semaphore, #tpu.memory_space<semaphore_mem>>) src(%dma_wait3A_63 : memref<10000x32xf32, #tpu.memory_space<vmem_shared>>) dst(%arg11 : memref<128x32xf32, #tpu.memory_space<vmem>>)
      %dma_start3A_64 = arith.constant 0 : i32
      %dma_start3A_65 = tpu.memref_slice %arg8[%add3A_58, %dma_start3A_64] : memref<160x128xi32, #tpu.memory_space<vmem>> -> memref<1x128xi32, #tpu.memory_space<vmem>>
      %dma_start3A_66 = tpu.memref_squeeze %dma_start3A_65 : memref<1x128xi32, #tpu.memory_space<vmem>> -> memref<128xi32, #tpu.memory_space<vmem>>
      %dma_start3A_67 = arith.constant 0 : i32
      %dma_start3A_68 = arith.constant 0 : i32
      %dma_start3A_69 = tpu.memref_slice %arg9[%dma_start3A_67, %dma_start3A_68] : memref<10008x32xf32, #tpu.memory_space<vmem_shared>> -> memref<10008x32xf32, #tpu.memory_space<vmem_shared>>
      tpu.enqueue_indirect_dma source(%arg11 : memref<128x32xf32, #tpu.memory_space<vmem>>) target(%dma_start3A_69 : memref<10008x32xf32, #tpu.memory_space<vmem_shared>>) offsets(%dma_start3A_66 : memref<128xi32, #tpu.memory_space<vmem>>) semaphore(%arg19 : memref<!tpu.dma_semaphore, #tpu.memory_space<semaphore_mem>>) {add = true}
      %dma_wait3A_70 = arith.constant 0 : i32
      %dma_wait3A_71 = tpu.memref_slice %arg8[%add3A_58, %dma_wait3A_70] : memref<160x128xi32, #tpu.memory_space<vmem>> -> memref<1x128xi32, #tpu.memory_space<vmem>>
      %dma_wait3A_72 = tpu.memref_squeeze %dma_wait3A_71 : memref<1x128xi32, #tpu.memory_space<vmem>> -> memref<128xi32, #tpu.memory_space<vmem>>
      %dma_wait3A_73 = arith.constant 0 : i32
      %dma_wait3A_74 = arith.constant 0 : i32
      %dma_wait3A_75 = tpu.memref_slice %arg9[%dma_wait3A_73, %dma_wait3A_74] : memref<10008x32xf32, #tpu.memory_space<vmem_shared>> -> memref<10008x32xf32, #tpu.memory_space<vmem_shared>>
      tpu.wait_indirect_dma semaphore(%arg19 : memref<!tpu.dma_semaphore, #tpu.memory_space<semaphore_mem>>) src(%arg11 : memref<128x32xf32, #tpu.memory_space<vmem>>) dst(%dma_wait3A_75 : memref<10008x32xf32, #tpu.memory_space<vmem_shared>>)
      %add3A_76 = arith.constant 4 : i32
      %add3A_77 = arith.addi %add3A_58, %add3A_76 : i32
      %lt3A = arith.constant 160 : i32
      %lt3A_78 = arith.cmpi slt, %add3A_77, %lt3A : i32
      %convert_element_type3A_79 = arith.extui %lt3A_78 : i1 to i32
      %cond3A_80 = arith.constant 0 : i32
      %cond3A_81 = arith.cmpi ne, %convert_element_type3A_79, %cond3A_80 : i32
      scf.if %cond3A_81 {
        %add3A_169 = arith.constant 4 : i32
        %add3A_170 = arith.addi %add3A_58, %add3A_169 : i32
        %dma_start3A_171 = arith.constant 0 : i32
        %dma_start3A_172 = tpu.memref_slice %arg7[%add3A_170, %dma_start3A_171] : memref<160x128xi32, #tpu.memory_space<vmem>> -> memref<1x128xi32, #tpu.memory_space<vmem>>
        %dma_start3A_173 = tpu.memref_squeeze %dma_start3A_172 : memref<1x128xi32, #tpu.memory_space<vmem>> -> memref<128xi32, #tpu.memory_space<vmem>>
        %dma_start3A_174 = arith.constant 0 : i32
        %dma_start3A_175 = arith.constant 0 : i32
        %dma_start3A_176 = tpu.memref_slice %arg10[%dma_start3A_174, %dma_start3A_175] : memref<10000x32xf32, #tpu.memory_space<vmem_shared>> -> memref<10000x32xf32, #tpu.memory_space<vmem_shared>>
        tpu.enqueue_indirect_dma source(%dma_start3A_176 : memref<10000x32xf32, #tpu.memory_space<vmem_shared>>) target(%arg11 : memref<128x32xf32, #tpu.memory_space<vmem>>) offsets(%dma_start3A_173 : memref<128xi32, #tpu.memory_space<vmem>>) semaphore(%arg15 : memref<!tpu.dma_semaphore, #tpu.memory_space<semaphore_mem>>)
      } else {
      }
      %mul3A_82 = arith.constant 4 : i32
      %mul3A_83 = arith.muli %scan3A_54, %mul3A_82 : i32
      %add3A_84 = arith.constant 1 : i32
      %add3A_85 = arith.addi %mul3A_83, %add3A_84 : i32
      %dma_wait3A_86 = arith.constant 0 : i32
      %dma_wait3A_87 = tpu.memref_slice %arg7[%add3A_85, %dma_wait3A_86] : memref<160x128xi32, #tpu.memory_space<vmem>> -> memref<1x128xi32, #tpu.memory_space<vmem>>
      %dma_wait3A_88 = tpu.memref_squeeze %dma_wait3A_87 : memref<1x128xi32, #tpu.memory_space<vmem>> -> memref<128xi32, #tpu.memory_space<vmem>>
      %dma_wait3A_89 = arith.constant 0 : i32
      %dma_wait3A_90 = arith.constant 0 : i32
      %dma_wait3A_91 = tpu.memref_slice %arg10[%dma_wait3A_89, %dma_wait3A_90] : memref<10000x32xf32, #tpu.memory_space<vmem_shared>> -> memref<10000x32xf32, #tpu.memory_space<vmem_shared>>
      tpu.wait_indirect_dma semaphore(%arg16 : memref<!tpu.dma_semaphore, #tpu.memory_space<semaphore_mem>>) src(%dma_wait3A_91 : memref<10000x32xf32, #tpu.memory_space<vmem_shared>>) dst(%arg12 : memref<128x32xf32, #tpu.memory_space<vmem>>)
      %dma_start3A_92 = arith.constant 0 : i32
      %dma_start3A_93 = tpu.memref_slice %arg8[%add3A_85, %dma_start3A_92] : memref<160x128xi32, #tpu.memory_space<vmem>> -> memref<1x128xi32, #tpu.memory_space<vmem>>
      %dma_start3A_94 = tpu.memref_squeeze %dma_start3A_93 : memref<1x128xi32, #tpu.memory_space<vmem>> -> memref<128xi32, #tpu.memory_space<vmem>>
      %dma_start3A_95 = arith.constant 0 : i32
      %dma_start3A_96 = arith.constant 0 : i32
      %dma_start3A_97 = tpu.memref_slice %arg9[%dma_start3A_95, %dma_start3A_96] : memref<10008x32xf32, #tpu.memory_space<vmem_shared>> -> memref<10008x32xf32, #tpu.memory_space<vmem_shared>>
      tpu.enqueue_indirect_dma source(%arg12 : memref<128x32xf32, #tpu.memory_space<vmem>>) target(%dma_start3A_97 : memref<10008x32xf32, #tpu.memory_space<vmem_shared>>) offsets(%dma_start3A_94 : memref<128xi32, #tpu.memory_space<vmem>>) semaphore(%arg20 : memref<!tpu.dma_semaphore, #tpu.memory_space<semaphore_mem>>) {add = true}
      %dma_wait3A_98 = arith.constant 0 : i32
      %dma_wait3A_99 = tpu.memref_slice %arg8[%add3A_85, %dma_wait3A_98] : memref<160x128xi32, #tpu.memory_space<vmem>> -> memref<1x128xi32, #tpu.memory_space<vmem>>
      %dma_wait3A_100 = tpu.memref_squeeze %dma_wait3A_99 : memref<1x128xi32, #tpu.memory_space<vmem>> -> memref<128xi32, #tpu.memory_space<vmem>>
      %dma_wait3A_101 = arith.constant 0 : i32
      %dma_wait3A_102 = arith.constant 0 : i32
      %dma_wait3A_103 = tpu.memref_slice %arg9[%dma_wait3A_101, %dma_wait3A_102] : memref<10008x32xf32, #tpu.memory_space<vmem_shared>> -> memref<10008x32xf32, #tpu.memory_space<vmem_shared>>
      tpu.wait_indirect_dma semaphore(%arg20 : memref<!tpu.dma_semaphore, #tpu.memory_space<semaphore_mem>>) src(%arg12 : memref<128x32xf32, #tpu.memory_space<vmem>>) dst(%dma_wait3A_103 : memref<10008x32xf32, #tpu.memory_space<vmem_shared>>)
      %add3A_104 = arith.constant 4 : i32
      %add3A_105 = arith.addi %add3A_85, %add3A_104 : i32
      %lt3A_106 = arith.constant 160 : i32
      %lt3A_107 = arith.cmpi slt, %add3A_105, %lt3A_106 : i32
      %convert_element_type3A_108 = arith.extui %lt3A_107 : i1 to i32
      %cond3A_109 = arith.constant 0 : i32
      %cond3A_110 = arith.cmpi ne, %convert_element_type3A_108, %cond3A_109 : i32
      scf.if %cond3A_110 {
        %add3A_169 = arith.constant 4 : i32
        %add3A_170 = arith.addi %add3A_85, %add3A_169 : i32
        %dma_start3A_171 = arith.constant 0 : i32
        %dma_start3A_172 = tpu.memref_slice %arg7[%add3A_170, %dma_start3A_171] : memref<160x128xi32, #tpu.memory_space<vmem>> -> memref<1x128xi32, #tpu.memory_space<vmem>>
        %dma_start3A_173 = tpu.memref_squeeze %dma_start3A_172 : memref<1x128xi32, #tpu.memory_space<vmem>> -> memref<128xi32, #tpu.memory_space<vmem>>
        %dma_start3A_174 = arith.constant 0 : i32
        %dma_start3A_175 = arith.constant 0 : i32
        %dma_start3A_176 = tpu.memref_slice %arg10[%dma_start3A_174, %dma_start3A_175] : memref<10000x32xf32, #tpu.memory_space<vmem_shared>> -> memref<10000x32xf32, #tpu.memory_space<vmem_shared>>
        tpu.enqueue_indirect_dma source(%dma_start3A_176 : memref<10000x32xf32, #tpu.memory_space<vmem_shared>>) target(%arg12 : memref<128x32xf32, #tpu.memory_space<vmem>>) offsets(%dma_start3A_173 : memref<128xi32, #tpu.memory_space<vmem>>) semaphore(%arg16 : memref<!tpu.dma_semaphore, #tpu.memory_space<semaphore_mem>>)
      } else {
      }
      %mul3A_111 = arith.constant 4 : i32
      %mul3A_112 = arith.muli %scan3A_54, %mul3A_111 : i32
      %add3A_113 = arith.constant 2 : i32
      %add3A_114 = arith.addi %mul3A_112, %add3A_113 : i32
      %dma_wait3A_115 = arith.constant 0 : i32
      %dma_wait3A_116 = tpu.memref_slice %arg7[%add3A_114, %dma_wait3A_115] : memref<160x128xi32, #tpu.memory_space<vmem>> -> memref<1x128xi32, #tpu.memory_space<vmem>>
      %dma_wait3A_117 = tpu.memref_squeeze %dma_wait3A_116 : memref<1x128xi32, #tpu.memory_space<vmem>> -> memref<128xi32, #tpu.memory_space<vmem>>
      %dma_wait3A_118 = arith.constant 0 : i32
      %dma_wait3A_119 = arith.constant 0 : i32
      %dma_wait3A_120 = tpu.memref_slice %arg10[%dma_wait3A_118, %dma_wait3A_119] : memref<10000x32xf32, #tpu.memory_space<vmem_shared>> -> memref<10000x32xf32, #tpu.memory_space<vmem_shared>>
      tpu.wait_indirect_dma semaphore(%arg17 : memref<!tpu.dma_semaphore, #tpu.memory_space<semaphore_mem>>) src(%dma_wait3A_120 : memref<10000x32xf32, #tpu.memory_space<vmem_shared>>) dst(%arg13 : memref<128x32xf32, #tpu.memory_space<vmem>>)
      %dma_start3A_121 = arith.constant 0 : i32
      %dma_start3A_122 = tpu.memref_slice %arg8[%add3A_114, %dma_start3A_121] : memref<160x128xi32, #tpu.memory_space<vmem>> -> memref<1x128xi32, #tpu.memory_space<vmem>>
      %dma_start3A_123 = tpu.memref_squeeze %dma_start3A_122 : memref<1x128xi32, #tpu.memory_space<vmem>> -> memref<128xi32, #tpu.memory_space<vmem>>
      %dma_start3A_124 = arith.constant 0 : i32
      %dma_start3A_125 = arith.constant 0 : i32
      %dma_start3A_126 = tpu.memref_slice %arg9[%dma_start3A_124, %dma_start3A_125] : memref<10008x32xf32, #tpu.memory_space<vmem_shared>> -> memref<10008x32xf32, #tpu.memory_space<vmem_shared>>
      tpu.enqueue_indirect_dma source(%arg13 : memref<128x32xf32, #tpu.memory_space<vmem>>) target(%dma_start3A_126 : memref<10008x32xf32, #tpu.memory_space<vmem_shared>>) offsets(%dma_start3A_123 : memref<128xi32, #tpu.memory_space<vmem>>) semaphore(%arg21 : memref<!tpu.dma_semaphore, #tpu.memory_space<semaphore_mem>>) {add = true}
      %dma_wait3A_127 = arith.constant 0 : i32
      %dma_wait3A_128 = tpu.memref_slice %arg8[%add3A_114, %dma_wait3A_127] : memref<160x128xi32, #tpu.memory_space<vmem>> -> memref<1x128xi32, #tpu.memory_space<vmem>>
      %dma_wait3A_129 = tpu.memref_squeeze %dma_wait3A_128 : memref<1x128xi32, #tpu.memory_space<vmem>> -> memref<128xi32, #tpu.memory_space<vmem>>
      %dma_wait3A_130 = arith.constant 0 : i32
      %dma_wait3A_131 = arith.constant 0 : i32
      %dma_wait3A_132 = tpu.memref_slice %arg9[%dma_wait3A_130, %dma_wait3A_131] : memref<10008x32xf32, #tpu.memory_space<vmem_shared>> -> memref<10008x32xf32, #tpu.memory_space<vmem_shared>>
      tpu.wait_indirect_dma semaphore(%arg21 : memref<!tpu.dma_semaphore, #tpu.memory_space<semaphore_mem>>) src(%arg13 : memref<128x32xf32, #tpu.memory_space<vmem>>) dst(%dma_wait3A_132 : memref<10008x32xf32, #tpu.memory_space<vmem_shared>>)
      %add3A_133 = arith.constant 4 : i32
      %add3A_134 = arith.addi %add3A_114, %add3A_133 : i32
      %lt3A_135 = arith.constant 160 : i32
      %lt3A_136 = arith.cmpi slt, %add3A_134, %lt3A_135 : i32
      %convert_element_type3A_137 = arith.extui %lt3A_136 : i1 to i32
      %cond3A_138 = arith.constant 0 : i32
      %cond3A_139 = arith.cmpi ne, %convert_element_type3A_137, %cond3A_138 : i32
      scf.if %cond3A_139 {
        %add3A_169 = arith.constant 4 : i32
        %add3A_170 = arith.addi %add3A_114, %add3A_169 : i32
        %dma_start3A_171 = arith.constant 0 : i32
        %dma_start3A_172 = tpu.memref_slice %arg7[%add3A_170, %dma_start3A_171] : memref<160x128xi32, #tpu.memory_space<vmem>> -> memref<1x128xi32, #tpu.memory_space<vmem>>
        %dma_start3A_173 = tpu.memref_squeeze %dma_start3A_172 : memref<1x128xi32, #tpu.memory_space<vmem>> -> memref<128xi32, #tpu.memory_space<vmem>>
        %dma_start3A_174 = arith.constant 0 : i32
        %dma_start3A_175 = arith.constant 0 : i32
        %dma_start3A_176 = tpu.memref_slice %arg10[%dma_start3A_174, %dma_start3A_175] : memref<10000x32xf32, #tpu.memory_space<vmem_shared>> -> memref<10000x32xf32, #tpu.memory_space<vmem_shared>>
        tpu.enqueue_indirect_dma source(%dma_start3A_176 : memref<10000x32xf32, #tpu.memory_space<vmem_shared>>) target(%arg13 : memref<128x32xf32, #tpu.memory_space<vmem>>) offsets(%dma_start3A_173 : memref<128xi32, #tpu.memory_space<vmem>>) semaphore(%arg17 : memref<!tpu.dma_semaphore, #tpu.memory_space<semaphore_mem>>)
      } else {
      }
      %mul3A_140 = arith.constant 4 : i32
      %mul3A_141 = arith.muli %scan3A_54, %mul3A_140 : i32
      %add3A_142 = arith.constant 3 : i32
      %add3A_143 = arith.addi %mul3A_141, %add3A_142 : i32
      %dma_wait3A_144 = arith.constant 0 : i32
      %dma_wait3A_145 = tpu.memref_slice %arg7[%add3A_143, %dma_wait3A_144] : memref<160x128xi32, #tpu.memory_space<vmem>> -> memref<1x128xi32, #tpu.memory_space<vmem>>
      %dma_wait3A_146 = tpu.memref_squeeze %dma_wait3A_145 : memref<1x128xi32, #tpu.memory_space<vmem>> -> memref<128xi32, #tpu.memory_space<vmem>>
      %dma_wait3A_147 = arith.constant 0 : i32
      %dma_wait3A_148 = arith.constant 0 : i32
      %dma_wait3A_149 = tpu.memref_slice %arg10[%dma_wait3A_147, %dma_wait3A_148] : memref<10000x32xf32, #tpu.memory_space<vmem_shared>> -> memref<10000x32xf32, #tpu.memory_space<vmem_shared>>
      tpu.wait_indirect_dma semaphore(%arg18 : memref<!tpu.dma_semaphore, #tpu.memory_space<semaphore_mem>>) src(%dma_wait3A_149 : memref<10000x32xf32, #tpu.memory_space<vmem_shared>>) dst(%arg14 : memref<128x32xf32, #tpu.memory_space<vmem>>)
      %dma_start3A_150 = arith.constant 0 : i32
      %dma_start3A_151 = tpu.memref_slice %arg8[%add3A_143, %dma_start3A_150] : memref<160x128xi32, #tpu.memory_space<vmem>> -> memref<1x128xi32, #tpu.memory_space<vmem>>
      %dma_start3A_152 = tpu.memref_squeeze %dma_start3A_151 : memref<1x128xi32, #tpu.memory_space<vmem>> -> memref<128xi32, #tpu.memory_space<vmem>>
      %dma_start3A_153 = arith.constant 0 : i32
      %dma_start3A_154 = arith.constant 0 : i32
      %dma_start3A_155 = tpu.memref_slice %arg9[%dma_start3A_153, %dma_start3A_154] : memref<10008x32xf32, #tpu.memory_space<vmem_shared>> -> memref<10008x32xf32, #tpu.memory_space<vmem_shared>>
      tpu.enqueue_indirect_dma source(%arg14 : memref<128x32xf32, #tpu.memory_space<vmem>>) target(%dma_start3A_155 : memref<10008x32xf32, #tpu.memory_space<vmem_shared>>) offsets(%dma_start3A_152 : memref<128xi32, #tpu.memory_space<vmem>>) semaphore(%arg22 : memref<!tpu.dma_semaphore, #tpu.memory_space<semaphore_mem>>) {add = true}
      %dma_wait3A_156 = arith.constant 0 : i32
      %dma_wait3A_157 = tpu.memref_slice %arg8[%add3A_143, %dma_wait3A_156] : memref<160x128xi32, #tpu.memory_space<vmem>> -> memref<1x128xi32, #tpu.memory_space<vmem>>
      %dma_wait3A_158 = tpu.memref_squeeze %dma_wait3A_157 : memref<1x128xi32, #tpu.memory_space<vmem>> -> memref<128xi32, #tpu.memory_space<vmem>>
      %dma_wait3A_159 = arith.constant 0 : i32
      %dma_wait3A_160 = arith.constant 0 : i32
      %dma_wait3A_161 = tpu.memref_slice %arg9[%dma_wait3A_159, %dma_wait3A_160] : memref<10008x32xf32, #tpu.memory_space<vmem_shared>> -> memref<10008x32xf32, #tpu.memory_space<vmem_shared>>
      tpu.wait_indirect_dma semaphore(%arg22 : memref<!tpu.dma_semaphore, #tpu.memory_space<semaphore_mem>>) src(%arg14 : memref<128x32xf32, #tpu.memory_space<vmem>>) dst(%dma_wait3A_161 : memref<10008x32xf32, #tpu.memory_space<vmem_shared>>)
      %add3A_162 = arith.constant 4 : i32
      %add3A_163 = arith.addi %add3A_143, %add3A_162 : i32
      %lt3A_164 = arith.constant 160 : i32
      %lt3A_165 = arith.cmpi slt, %add3A_163, %lt3A_164 : i32
      %convert_element_type3A_166 = arith.extui %lt3A_165 : i1 to i32
      %cond3A_167 = arith.constant 0 : i32
      %cond3A_168 = arith.cmpi ne, %convert_element_type3A_166, %cond3A_167 : i32
      scf.if %cond3A_168 {
        %add3A_169 = arith.constant 4 : i32
        %add3A_170 = arith.addi %add3A_143, %add3A_169 : i32
        %dma_start3A_171 = arith.constant 0 : i32
        %dma_start3A_172 = tpu.memref_slice %arg7[%add3A_170, %dma_start3A_171] : memref<160x128xi32, #tpu.memory_space<vmem>> -> memref<1x128xi32, #tpu.memory_space<vmem>>
        %dma_start3A_173 = tpu.memref_squeeze %dma_start3A_172 : memref<1x128xi32, #tpu.memory_space<vmem>> -> memref<128xi32, #tpu.memory_space<vmem>>
        %dma_start3A_174 = arith.constant 0 : i32
        %dma_start3A_175 = arith.constant 0 : i32
        %dma_start3A_176 = tpu.memref_slice %arg10[%dma_start3A_174, %dma_start3A_175] : memref<10000x32xf32, #tpu.memory_space<vmem_shared>> -> memref<10000x32xf32, #tpu.memory_space<vmem_shared>>
        tpu.enqueue_indirect_dma source(%dma_start3A_176 : memref<10000x32xf32, #tpu.memory_space<vmem_shared>>) target(%arg14 : memref<128x32xf32, #tpu.memory_space<vmem>>) offsets(%dma_start3A_173 : memref<128xi32, #tpu.memory_space<vmem>>) semaphore(%arg18 : memref<!tpu.dma_semaphore, #tpu.memory_space<semaphore_mem>>)
      } else {
      }
    }
    %scan3A_43 = arith.constant 40 : i32
    %barrier3A_44 = arith.constant 0 : index
    tpu.barrier barrier_id(%barrier3A_44)
    %mul3A_45 = arith.constant 624 : i32
    %mul3A_46 = arith.muli %arg1, %mul3A_45 : i32
    %mul3A_47 = arith.constant 624 : i32
    %mul3A_48 = arith.muli %arg1, %mul3A_47 : i32
    "tpu.region"() ({
      %run_scoped3A = tpu.sem_alloc : memref<!tpu.dma_semaphore, #tpu.memory_space<semaphore_mem>>
      %dma_start3A_54 = arith.constant 0 : i32
      %dma_start3A_55 = tpu.memref_slice %arg6[%arg0, %mul3A_48, %dma_start3A_54] : memref<2x10000x32xf32, #tpu.memory_space<hbm>> -> memref<1x624x32xf32, #tpu.memory_space<hbm>>
      %dma_start3A_56 = tpu.memref_squeeze %dma_start3A_55 : memref<1x624x32xf32, #tpu.memory_space<hbm>> -> memref<624x32xf32, #tpu.memory_space<hbm>>
      %dma_start3A_57 = arith.constant 0 : i32
      %dma_start3A_58 = tpu.memref_slice %arg9[%mul3A_46, %dma_start3A_57] : memref<10008x32xf32, #tpu.memory_space<vmem_shared>> -> memref<624x32xf32, #tpu.memory_space<vmem_shared>>
      tpu.enqueue_dma source(%dma_start3A_58 : memref<624x32xf32, #tpu.memory_space<vmem_shared>>) target(%dma_start3A_56 : memref<624x32xf32, #tpu.memory_space<hbm>>) target_semaphore(%run_scoped3A : memref<!tpu.dma_semaphore, #tpu.memory_space<semaphore_mem>>)
      %dma_wait3A = arith.constant 0 : i32
      %dma_wait3A_59 = tpu.memref_slice %arg6[%arg0, %mul3A_48, %dma_wait3A] : memref<2x10000x32xf32, #tpu.memory_space<hbm>> -> memref<1x624x32xf32, #tpu.memory_space<hbm>>
      %dma_wait3A_60 = tpu.memref_squeeze %dma_wait3A_59 : memref<1x624x32xf32, #tpu.memory_space<hbm>> -> memref<624x32xf32, #tpu.memory_space<hbm>>
      %dma_wait3A_61 = arith.constant 0 : i32
      %dma_wait3A_62 = tpu.memref_slice %arg9[%mul3A_46, %dma_wait3A_61] : memref<10008x32xf32, #tpu.memory_space<vmem_shared>> -> memref<624x32xf32, #tpu.memory_space<vmem_shared>>
      tpu.wait_dma2 semaphore(%run_scoped3A : memref<!tpu.dma_semaphore, #tpu.memory_space<semaphore_mem>>) src(%dma_wait3A_62 : memref<624x32xf32, #tpu.memory_space<vmem_shared>>) dst(%dma_wait3A_60 : memref<624x32xf32, #tpu.memory_space<hbm>>)
      tpu.yield
    }) : () -> ()
    %eq3A_49 = arith.constant 0 : i32
    %eq3A_50 = arith.cmpi eq, %arg1, %eq3A_49 : i32
    %convert_element_type3A_51 = arith.extui %eq3A_50 : i1 to i32
    %cond3A_52 = arith.constant 0 : i32
    %cond3A_53 = arith.cmpi ne, %convert_element_type3A_51, %cond3A_52 : i32
    scf.if %cond3A_53 {
      "tpu.region"() ({
        %run_scoped3A = tpu.sem_alloc : memref<!tpu.dma_semaphore, #tpu.memory_space<semaphore_mem>>
        %dma_start3A_54 = arith.constant 9984 : i32
        %dma_start3A_55 = arith.constant 0 : i32
        %dma_start3A_56 = tpu.memref_slice %arg6[%arg0, %dma_start3A_54, %dma_start3A_55] : memref<2x10000x32xf32, #tpu.memory_space<hbm>> -> memref<1x16x32xf32, #tpu.memory_space<hbm>>
        %dma_start3A_57 = tpu.memref_squeeze %dma_start3A_56 : memref<1x16x32xf32, #tpu.memory_space<hbm>> -> memref<16x32xf32, #tpu.memory_space<hbm>>
        %dma_start3A_58 = arith.constant 9984 : i32
        %dma_start3A_59 = arith.constant 0 : i32
        %dma_start3A_60 = tpu.memref_slice %arg9[%dma_start3A_58, %dma_start3A_59] : memref<10008x32xf32, #tpu.memory_space<vmem_shared>> -> memref<16x32xf32, #tpu.memory_space<vmem_shared>>
        tpu.enqueue_dma source(%dma_start3A_60 : memref<16x32xf32, #tpu.memory_space<vmem_shared>>) target(%dma_start3A_57 : memref<16x32xf32, #tpu.memory_space<hbm>>) target_semaphore(%run_scoped3A : memref<!tpu.dma_semaphore, #tpu.memory_space<semaphore_mem>>)
        %dma_wait3A = arith.constant 9984 : i32
        %dma_wait3A_61 = arith.constant 0 : i32
        %dma_wait3A_62 = tpu.memref_slice %arg6[%arg0, %dma_wait3A, %dma_wait3A_61] : memref<2x10000x32xf32, #tpu.memory_space<hbm>> -> memref<1x16x32xf32, #tpu.memory_space<hbm>>
        %dma_wait3A_63 = tpu.memref_squeeze %dma_wait3A_62 : memref<1x16x32xf32, #tpu.memory_space<hbm>> -> memref<16x32xf32, #tpu.memory_space<hbm>>
        %dma_wait3A_64 = arith.constant 9984 : i32
        %dma_wait3A_65 = arith.constant 0 : i32
        %dma_wait3A_66 = tpu.memref_slice %arg9[%dma_wait3A_64, %dma_wait3A_65] : memref<10008x32xf32, #tpu.memory_space<vmem_shared>> -> memref<16x32xf32, #tpu.memory_space<vmem_shared>>
        tpu.wait_dma2 semaphore(%run_scoped3A : memref<!tpu.dma_semaphore, #tpu.memory_space<semaphore_mem>>) src(%dma_wait3A_66 : memref<16x32xf32, #tpu.memory_space<vmem_shared>>) dst(%dma_wait3A_63 : memref<16x32xf32, #tpu.memory_space<hbm>>)
        tpu.yield
      }) : () -> ()
    } else {
    }
    return
  }
}

module attributes {stable_mosaic.version = 14 : i64} {
  func.func @body(%arg0: i32, %arg1: memref<1000x128xf32, #tpu.memory_space<vmem>>, %arg2: memref<64x128xf32, #tpu.memory_space<vmem>>, %arg3: memref<64x128xf32, #tpu.memory_space<vmem>>, %arg4: memref<2x1000x32xf32, #tpu.memory_space<vmem>>, %arg5: memref<1000x64xf32, #tpu.memory_space<vmem>>) attributes {dimension_semantics = [#tpu.dimension_semantics<arbitrary>], iteration_bounds = array<i64: 10>, scalar_prefetch = 0 : i64, scratch_operands = 0 : i64, tpu.core_type = #tpu.core_type<tc>, window_params = [{transform_indices = @transform_0, window_bounds = array<i64: 1000, 128>}, {pipeline_mode = #tpu.pipeline_mode<synchronous>, transform_indices = @transform_1, window_bounds = array<i64: 64, 128>}, {pipeline_mode = #tpu.pipeline_mode<synchronous>, transform_indices = @transform_2, window_bounds = array<i64: 64, 128>}, {transform_indices = @transform_3, window_bounds = array<i64: 2, 1000, 32>}, {transform_indices = @transform_4, window_bounds = array<i64: 1000, 64>}]} {
    %get3A = arith.constant 0 : index
    %get3A_0 = arith.constant 0 : index
    %get3A_1 = vector.load %arg1[%get3A, %get3A_0] : memref<1000x128xf32, #tpu.memory_space<vmem>>, vector<1000x128xf32>
    %get3A_2 = arith.constant 0 : index
    %get3A_3 = arith.constant 0 : index
    %get3A_4 = vector.load %arg2[%get3A_2, %get3A_3] : memref<64x128xf32, #tpu.memory_space<vmem>>, vector<64x128xf32>
    %dot_general3A = arith.constant dense<0.000000e+00> : vector<1000x64xf32>
    %dot_general3A_5 = tpu.matmul %get3A_1, %get3A_4, %dot_general3A {dimension_numbers = #tpu.dot_dimension_numbers<[1], [1], [0], [0], [0, 0, 1, 0], [], []>, transpose_lhs_hint = false} : vector<1000x128xf32>, vector<64x128xf32>, vector<1000x64xf32> -> vector<1000x64xf32>
    %slice3A = vector.extract_strided_slice %dot_general3A_5 {offsets = [0, 0], sizes = [1000, 32], strides = [1, 1]} : vector<1000x64xf32> to vector<1000x32xf32>
    %swap3A = arith.constant 0 : index
    %swap3A_6 = arith.constant 0 : index
    %swap3A_7 = arith.constant 0 : index
    %swap3A_8 = vector.load %arg4[%swap3A, %swap3A_6, %swap3A_7] : memref<2x1000x32xf32, #tpu.memory_space<vmem>>, vector<1x1000x32xf32>
    %swap3A_9 = vector.shape_cast %swap3A_8 : vector<1x1000x32xf32> to vector<1000x32xf32>
    %swap3A_10 = vector.shape_cast %slice3A : vector<1000x32xf32> to vector<1x1000x32xf32>
    tpu.vector_store %arg4[%swap3A, %swap3A_6, %swap3A_7], %swap3A_10 {strides = array<i32>} : memref<2x1000x32xf32, #tpu.memory_space<vmem>>, vector<1x1000x32xf32>,
    %slice3A_11 = vector.extract_strided_slice %dot_general3A_5 {offsets = [0, 32], sizes = [1000, 32], strides = [1, 1]} : vector<1000x64xf32> to vector<1000x32xf32>
    %swap3A_12 = arith.constant 1 : index
    %swap3A_13 = arith.constant 0 : index
    %swap3A_14 = arith.constant 0 : index
    %swap3A_15 = vector.load %arg4[%swap3A_12, %swap3A_13, %swap3A_14] : memref<2x1000x32xf32, #tpu.memory_space<vmem>>, vector<1x1000x32xf32>
    %swap3A_16 = vector.shape_cast %swap3A_15 : vector<1x1000x32xf32> to vector<1000x32xf32>
    %swap3A_17 = vector.shape_cast %slice3A_11 : vector<1000x32xf32> to vector<1x1000x32xf32>
    tpu.vector_store %arg4[%swap3A_12, %swap3A_13, %swap3A_14], %swap3A_17 {strides = array<i32>} : memref<2x1000x32xf32, #tpu.memory_space<vmem>>, vector<1x1000x32xf32>,
    %get3A_18 = arith.constant 0 : index
    %get3A_19 = arith.constant 0 : index
    %get3A_20 = vector.load %arg3[%get3A_18, %get3A_19] : memref<64x128xf32, #tpu.memory_space<vmem>>, vector<64x128xf32>
    %dot_general3A_21 = arith.constant dense<0.000000e+00> : vector<1000x64xf32>
    %dot_general3A_22 = tpu.matmul %get3A_1, %get3A_20, %dot_general3A_21 {dimension_numbers = #tpu.dot_dimension_numbers<[1], [1], [0], [0], [0, 0, 1, 0], [], []>, transpose_lhs_hint = false} : vector<1000x128xf32>, vector<64x128xf32>, vector<1000x64xf32> -> vector<1000x64xf32>
    %swap3A_23 = arith.constant 0 : index
    %swap3A_24 = arith.constant 0 : index
    %swap3A_25 = vector.load %arg5[%swap3A_23, %swap3A_24] : memref<1000x64xf32, #tpu.memory_space<vmem>>, vector<1000x64xf32>
    tpu.vector_store %arg5[%swap3A_23, %swap3A_24], %dot_general3A_22 {strides = array<i32>} : memref<1000x64xf32, #tpu.memory_space<vmem>>, vector<1000x64xf32>,
    return
  }
  func.func @transform_0(%arg0: i32) -> (i32, i32) {
    %c0_i32 = arith.constant 0 : i32
    %c0_i32_0 = arith.constant 0 : i32
    return %arg0, %c0_i32 : i32, i32
  }
  func.func @transform_1(%arg0: i32) -> (i32, i32) {
    %c0_i32 = arith.constant 0 : i32
    %c0_i32_0 = arith.constant 0 : i32
    %c0_i32_1 = arith.constant 0 : i32
    return %c0_i32, %c0_i32_0 : i32, i32
  }
  func.func @transform_2(%arg0: i32) -> (i32, i32) {
    %c0_i32 = arith.constant 0 : i32
    %c0_i32_0 = arith.constant 0 : i32
    %c0_i32_1 = arith.constant 0 : i32
    return %c0_i32, %c0_i32_0 : i32, i32
  }
  func.func @transform_3(%arg0: i32) -> (i32, i32, i32) {
    %c0_i32 = arith.constant 0 : i32
    %c0_i32_0 = arith.constant 0 : i32
    %c0_i32_1 = arith.constant 0 : i32
    return %c0_i32, %arg0, %c0_i32_0 : i32, i32, i32
  }
  func.func @transform_4(%arg0: i32) -> (i32, i32) {
    %c0_i32 = arith.constant 0 : i32
    %c0_i32_0 = arith.constant 0 : i32
    return %arg0, %c0_i32 : i32, i32
  }
}

module attributes {stable_mosaic.version = 14 : i64} {
  func.func @body(%arg0: i32, %arg1: memref<2x1000x32xf32, #tpu.memory_space<vmem>>, %arg2: memref<1000x32xf32, #tpu.memory_space<vmem>>, %arg3: memref<1000x64xf32, #tpu.memory_space<vmem>>, %arg4: memref<1x64xf32, #tpu.memory_space<vmem>>, %arg5: memref<64x64xf32, #tpu.memory_space<vmem>>, %arg6: memref<64x64xf32, #tpu.memory_space<vmem>>, %arg7: memref<2x1000x32xf32, #tpu.memory_space<vmem>>, %arg8: memref<1000x64xf32, #tpu.memory_space<vmem>>) attributes {dimension_semantics = [#tpu.dimension_semantics<arbitrary>], iteration_bounds = array<i64: 10>, scalar_prefetch = 0 : i64, scratch_operands = 0 : i64, tpu.core_type = #tpu.core_type<tc>, window_params = [{transform_indices = @transform_0, window_bounds = array<i64: 2, 1000, 32>}, {transform_indices = @transform_1, window_bounds = array<i64: 1000, 32>}, {transform_indices = @transform_2, window_bounds = array<i64: 1000, 64>}, {pipeline_mode = #tpu.pipeline_mode<synchronous>, transform_indices = @transform_3, window_bounds = array<i64: 1, 64>}, {pipeline_mode = #tpu.pipeline_mode<synchronous>, transform_indices = @transform_4, window_bounds = array<i64: 64, 64>}, {pipeline_mode = #tpu.pipeline_mode<synchronous>, transform_indices = @transform_5, window_bounds = array<i64: 64, 64>}, {transform_indices = @transform_6, window_bounds = array<i64: 2, 1000, 32>}, {transform_indices = @transform_7, window_bounds = array<i64: 1000, 64>}]} {
    %get3A = arith.constant 0 : index
    %get3A_0 = arith.constant 0 : index
    %get3A_1 = arith.constant 0 : index
    %get3A_2 = vector.load %arg1[%get3A, %get3A_0, %get3A_1] : memref<2x1000x32xf32, #tpu.memory_space<vmem>>, vector<1x1000x32xf32>
    %get3A_3 = vector.shape_cast %get3A_2 : vector<1x1000x32xf32> to vector<1000x32xf32>
    %get3A_4 = arith.constant 1 : index
    %get3A_5 = arith.constant 0 : index
    %get3A_6 = arith.constant 0 : index
    %get3A_7 = vector.load %arg1[%get3A_4, %get3A_5, %get3A_6] : memref<2x1000x32xf32, #tpu.memory_space<vmem>>, vector<1x1000x32xf32>
    %get3A_8 = vector.shape_cast %get3A_7 : vector<1x1000x32xf32> to vector<1000x32xf32>
    %concatenate3A = tpu.concatenate %get3A_3, %get3A_8 in 1 : vector<1000x32xf32>, vector<1000x32xf32> -> vector<1000x64xf32>
    %get3A_9 = arith.constant 0 : index
    %get3A_10 = arith.constant 0 : index
    %get3A_11 = vector.load %arg2[%get3A_9, %get3A_10] : memref<1000x32xf32, #tpu.memory_space<vmem>>, vector<1000x32xf32>
    %reduce_sum3A = arith.constant dense<0.000000e+00> : vector<1000xf32>
    %reduce_sum3A_12 = vector.multi_reduction <add>, %get3A_11, %reduce_sum3A [1] : vector<1000x32xf32> to vector<1000xf32>
    %broadcast_in_dim3A = vector.shape_cast %reduce_sum3A_12 : vector<1000xf32> to vector<1000x1xf32>
    %max3A = arith.constant 1.000000e+00 : f32
    %max3A_13 = vector.broadcast %max3A : f32 to vector<1000x1xf32>
    %max3A_14 = arith.maximumf %broadcast_in_dim3A, %max3A_13 : vector<1000x1xf32>
    %div3A = vector.broadcast %max3A_14 : vector<1000x1xf32> to vector<1000x64xf32>
    %div3A_15 = arith.divf %concatenate3A, %div3A : vector<1000x64xf32>
    %get3A_16 = arith.constant 0 : index
    %get3A_17 = arith.constant 0 : index
    %get3A_18 = vector.load %arg4[%get3A_16, %get3A_17] : memref<1x64xf32, #tpu.memory_space<vmem>>, vector<1x64xf32>
    %add3A = vector.broadcast %get3A_18 : vector<1x64xf32> to vector<1000x64xf32>
    %add3A_19 = arith.addf %div3A_15, %add3A : vector<1000x64xf32>
    %get3A_20 = arith.constant 0 : index
    %get3A_21 = arith.constant 0 : index
    %get3A_22 = vector.load %arg3[%get3A_20, %get3A_21] : memref<1000x64xf32, #tpu.memory_space<vmem>>, vector<1000x64xf32>
    %add3A_23 = arith.addf %add3A_19, %get3A_22 : vector<1000x64xf32>
    %max3A_24 = arith.constant 0.000000e+00 : f32
    %max3A_25 = vector.broadcast %max3A_24 : f32 to vector<1000x64xf32>
    %max3A_26 = arith.maximumf %add3A_23, %max3A_25 : vector<1000x64xf32>
    %get3A_27 = arith.constant 0 : index
    %get3A_28 = arith.constant 0 : index
    %get3A_29 = vector.load %arg5[%get3A_27, %get3A_28] : memref<64x64xf32, #tpu.memory_space<vmem>>, vector<64x64xf32>
    %dot_general3A = arith.constant dense<0.000000e+00> : vector<1000x64xf32>
    %dot_general3A_30 = tpu.matmul %max3A_26, %get3A_29, %dot_general3A {dimension_numbers = #tpu.dot_dimension_numbers<[1], [1], [0], [0], [0, 0, 1, 0], [], []>, transpose_lhs_hint = false} : vector<1000x64xf32>, vector<64x64xf32>, vector<1000x64xf32> -> vector<1000x64xf32>
    %slice3A = vector.extract_strided_slice %dot_general3A_30 {offsets = [0, 0], sizes = [1000, 32], strides = [1, 1]} : vector<1000x64xf32> to vector<1000x32xf32>
    %swap3A = arith.constant 0 : index
    %swap3A_31 = arith.constant 0 : index
    %swap3A_32 = arith.constant 0 : index
    %swap3A_33 = vector.load %arg7[%swap3A, %swap3A_31, %swap3A_32] : memref<2x1000x32xf32, #tpu.memory_space<vmem>>, vector<1x1000x32xf32>
    %swap3A_34 = vector.shape_cast %swap3A_33 : vector<1x1000x32xf32> to vector<1000x32xf32>
    %swap3A_35 = vector.shape_cast %slice3A : vector<1000x32xf32> to vector<1x1000x32xf32>
    tpu.vector_store %arg7[%swap3A, %swap3A_31, %swap3A_32], %swap3A_35 {strides = array<i32>} : memref<2x1000x32xf32, #tpu.memory_space<vmem>>, vector<1x1000x32xf32>,
    %slice3A_36 = vector.extract_strided_slice %dot_general3A_30 {offsets = [0, 32], sizes = [1000, 32], strides = [1, 1]} : vector<1000x64xf32> to vector<1000x32xf32>
    %swap3A_37 = arith.constant 1 : index
    %swap3A_38 = arith.constant 0 : index
    %swap3A_39 = arith.constant 0 : index
    %swap3A_40 = vector.load %arg7[%swap3A_37, %swap3A_38, %swap3A_39] : memref<2x1000x32xf32, #tpu.memory_space<vmem>>, vector<1x1000x32xf32>
    %swap3A_41 = vector.shape_cast %swap3A_40 : vector<1x1000x32xf32> to vector<1000x32xf32>
    %swap3A_42 = vector.shape_cast %slice3A_36 : vector<1000x32xf32> to vector<1x1000x32xf32>
    tpu.vector_store %arg7[%swap3A_37, %swap3A_38, %swap3A_39], %swap3A_42 {strides = array<i32>} : memref<2x1000x32xf32, #tpu.memory_space<vmem>>, vector<1x1000x32xf32>,
    %get3A_43 = arith.constant 0 : index
    %get3A_44 = arith.constant 0 : index
    %get3A_45 = vector.load %arg6[%get3A_43, %get3A_44] : memref<64x64xf32, #tpu.memory_space<vmem>>, vector<64x64xf32>
    %dot_general3A_46 = arith.constant dense<0.000000e+00> : vector<1000x64xf32>
    %dot_general3A_47 = tpu.matmul %max3A_26, %get3A_45, %dot_general3A_46 {dimension_numbers = #tpu.dot_dimension_numbers<[1], [1], [0], [0], [0, 0, 1, 0], [], []>, transpose_lhs_hint = false} : vector<1000x64xf32>, vector<64x64xf32>, vector<1000x64xf32> -> vector<1000x64xf32>
    %swap3A_48 = arith.constant 0 : index
    %swap3A_49 = arith.constant 0 : index
    %swap3A_50 = vector.load %arg8[%swap3A_48, %swap3A_49] : memref<1000x64xf32, #tpu.memory_space<vmem>>, vector<1000x64xf32>
    tpu.vector_store %arg8[%swap3A_48, %swap3A_49], %dot_general3A_47 {strides = array<i32>} : memref<1000x64xf32, #tpu.memory_space<vmem>>, vector<1000x64xf32>,
    return
  }
  func.func @transform_0(%arg0: i32) -> (i32, i32, i32) {
    %c0_i32 = arith.constant 0 : i32
    %c0_i32_0 = arith.constant 0 : i32
    %c0_i32_1 = arith.constant 0 : i32
    return %c0_i32, %arg0, %c0_i32_0 : i32, i32, i32
  }
  func.func @transform_1(%arg0: i32) -> (i32, i32) {
    %c0_i32 = arith.constant 0 : i32
    %c0_i32_0 = arith.constant 0 : i32
    return %arg0, %c0_i32 : i32, i32
  }
  func.func @transform_2(%arg0: i32) -> (i32, i32) {
    %c0_i32 = arith.constant 0 : i32
    %c0_i32_0 = arith.constant 0 : i32
    return %arg0, %c0_i32 : i32, i32
  }
  func.func @transform_3(%arg0: i32) -> (i32, i32) {
    %c0_i32 = arith.constant 0 : i32
    %c0_i32_0 = arith.constant 0 : i32
    %c0_i32_1 = arith.constant 0 : i32
    return %c0_i32, %c0_i32_0 : i32, i32
  }
  func.func @transform_4(%arg0: i32) -> (i32, i32) {
    %c0_i32 = arith.constant 0 : i32
    %c0_i32_0 = arith.constant 0 : i32
    %c0_i32_1 = arith.constant 0 : i32
    return %c0_i32, %c0_i32_0 : i32, i32
  }
  func.func @transform_5(%arg0: i32) -> (i32, i32) {
    %c0_i32 = arith.constant 0 : i32
    %c0_i32_0 = arith.constant 0 : i32
    %c0_i32_1 = arith.constant 0 : i32
    return %c0_i32, %c0_i32_0 : i32, i32
  }
  func.func @transform_6(%arg0: i32) -> (i32, i32, i32) {
    %c0_i32 = arith.constant 0 : i32
    %c0_i32_0 = arith.constant 0 : i32
    %c0_i32_1 = arith.constant 0 : i32
    return %c0_i32, %arg0, %c0_i32_0 : i32, i32, i32
  }
  func.func @transform_7(%arg0: i32) -> (i32, i32) {
    %c0_i32 = arith.constant 0 : i32
    %c0_i32_0 = arith.constant 0 : i32
    return %arg0, %c0_i32 : i32, i32
  }
}

module attributes {stable_mosaic.version = 14 : i64} {
  func.func @body(%arg0: i32, %arg1: memref<2x1000x32xf32, #tpu.memory_space<vmem>>, %arg2: memref<1000x32xf32, #tpu.memory_space<vmem>>, %arg3: memref<1000x64xf32, #tpu.memory_space<vmem>>, %arg4: memref<1x64xf32, #tpu.memory_space<vmem>>, %arg5: memref<1000x1xi32, #tpu.memory_space<vmem>>, %arg6: memref<1x64xf32, #tpu.memory_space<vmem>>, %arg7: memref<1x1xf32, #tpu.memory_space<vmem>>, %arg8: memref<256x1xf32, #tpu.memory_space<vmem>>, %arg9: memref<256x1xf32, #tpu.memory_space<vmem>>, %arg10: memref<256x1xf32, #tpu.memory_space<vmem>>) attributes {dimension_semantics = [#tpu.dimension_semantics<arbitrary>], iteration_bounds = array<i64: 10>, scalar_prefetch = 0 : i64, scratch_operands = 2 : i64, tpu.core_type = #tpu.core_type<tc>, window_params = [{transform_indices = @transform_0, window_bounds = array<i64: 2, 1000, 32>}, {transform_indices = @transform_1, window_bounds = array<i64: 1000, 32>}, {transform_indices = @transform_2, window_bounds = array<i64: 1000, 64>}, {pipeline_mode = #tpu.pipeline_mode<synchronous>, transform_indices = @transform_3, window_bounds = array<i64: 1, 64>}, {transform_indices = @transform_4, window_bounds = array<i64: 1000, 1>}, {pipeline_mode = #tpu.pipeline_mode<synchronous>, transform_indices = @transform_5, window_bounds = array<i64: 1, 64>}, {pipeline_mode = #tpu.pipeline_mode<synchronous>, transform_indices = @transform_6, window_bounds = array<i64: 1, 1>}, {pipeline_mode = #tpu.pipeline_mode<synchronous>, transform_indices = @transform_7, window_bounds = array<i64: 256, 1>}]} {
    %eq3A = arith.constant 0 : i32
    %eq3A_0 = arith.cmpi eq, %arg0, %eq3A : i32
    %convert_element_type3A = arith.extui %eq3A_0 : i1 to i32
    %cond3A = arith.constant 0 : i32
    %cond3A_1 = arith.cmpi ne, %convert_element_type3A, %cond3A : i32
    scf.if %cond3A_1 {
      %broadcast_in_dim3A_64 = arith.constant 0.000000e+00 : f32
      %broadcast_in_dim3A_65 = vector.broadcast %broadcast_in_dim3A_64 : f32 to vector<256x1xf32>
      %swap3A_66 = arith.constant 0 : index
      %swap3A_67 = arith.constant 0 : index
      %swap3A_68 = vector.load %arg9[%swap3A_66, %swap3A_67] : memref<256x1xf32, #tpu.memory_space<vmem>>, vector<256x1xf32>
      tpu.vector_store %arg9[%swap3A_66, %swap3A_67], %broadcast_in_dim3A_65 {strides = array<i32>} : memref<256x1xf32, #tpu.memory_space<vmem>>, vector<256x1xf32>,
      %broadcast_in_dim3A_69 = arith.constant 0.000000e+00 : f32
      %broadcast_in_dim3A_70 = vector.broadcast %broadcast_in_dim3A_69 : f32 to vector<256x1xf32>
      %swap3A_71 = arith.constant 0 : index
      %swap3A_72 = arith.constant 0 : index
      %swap3A_73 = vector.load %arg10[%swap3A_71, %swap3A_72] : memref<256x1xf32, #tpu.memory_space<vmem>>, vector<256x1xf32>
      tpu.vector_store %arg10[%swap3A_71, %swap3A_72], %broadcast_in_dim3A_70 {strides = array<i32>} : memref<256x1xf32, #tpu.memory_space<vmem>>, vector<256x1xf32>,
    } else {
    }
    %get3A = arith.constant 0 : index
    %get3A_2 = arith.constant 0 : index
    %get3A_3 = arith.constant 0 : index
    %get3A_4 = vector.load %arg1[%get3A, %get3A_2, %get3A_3] : memref<2x1000x32xf32, #tpu.memory_space<vmem>>, vector<1x1000x32xf32>
    %get3A_5 = vector.shape_cast %get3A_4 : vector<1x1000x32xf32> to vector<1000x32xf32>
    %get3A_6 = arith.constant 1 : index
    %get3A_7 = arith.constant 0 : index
    %get3A_8 = arith.constant 0 : index
    %get3A_9 = vector.load %arg1[%get3A_6, %get3A_7, %get3A_8] : memref<2x1000x32xf32, #tpu.memory_space<vmem>>, vector<1x1000x32xf32>
    %get3A_10 = vector.shape_cast %get3A_9 : vector<1x1000x32xf32> to vector<1000x32xf32>
    %concatenate3A = tpu.concatenate %get3A_5, %get3A_10 in 1 : vector<1000x32xf32>, vector<1000x32xf32> -> vector<1000x64xf32>
    %get3A_11 = arith.constant 0 : index
    %get3A_12 = arith.constant 0 : index
    %get3A_13 = vector.load %arg2[%get3A_11, %get3A_12] : memref<1000x32xf32, #tpu.memory_space<vmem>>, vector<1000x32xf32>
    %reduce_sum3A = arith.constant dense<0.000000e+00> : vector<1000xf32>
    %reduce_sum3A_14 = vector.multi_reduction <add>, %get3A_13, %reduce_sum3A [1] : vector<1000x32xf32> to vector<1000xf32>
    %broadcast_in_dim3A = vector.shape_cast %reduce_sum3A_14 : vector<1000xf32> to vector<1000x1xf32>
    %max3A = arith.constant 1.000000e+00 : f32
    %max3A_15 = vector.broadcast %max3A : f32 to vector<1000x1xf32>
    %max3A_16 = arith.maximumf %broadcast_in_dim3A, %max3A_15 : vector<1000x1xf32>
    %div3A = vector.broadcast %max3A_16 : vector<1000x1xf32> to vector<1000x64xf32>
    %div3A_17 = arith.divf %concatenate3A, %div3A : vector<1000x64xf32>
    %get3A_18 = arith.constant 0 : index
    %get3A_19 = arith.constant 0 : index
    %get3A_20 = vector.load %arg4[%get3A_18, %get3A_19] : memref<1x64xf32, #tpu.memory_space<vmem>>, vector<1x64xf32>
    %add3A = vector.broadcast %get3A_20 : vector<1x64xf32> to vector<1000x64xf32>
    %add3A_21 = arith.addf %div3A_17, %add3A : vector<1000x64xf32>
    %get3A_22 = arith.constant 0 : index
    %get3A_23 = arith.constant 0 : index
    %get3A_24 = vector.load %arg3[%get3A_22, %get3A_23] : memref<1000x64xf32, #tpu.memory_space<vmem>>, vector<1000x64xf32>
    %add3A_25 = arith.addf %add3A_21, %get3A_24 : vector<1000x64xf32>
    %max3A_26 = arith.constant 0.000000e+00 : f32
    %max3A_27 = vector.broadcast %max3A_26 : f32 to vector<1000x64xf32>
    %max3A_28 = arith.maximumf %add3A_25, %max3A_27 : vector<1000x64xf32>
    %get3A_29 = arith.constant 0 : index
    %get3A_30 = arith.constant 0 : index
    %get3A_31 = vector.load %arg6[%get3A_29, %get3A_30] : memref<1x64xf32, #tpu.memory_space<vmem>>, vector<1x64xf32>
    %dot_general3A = arith.constant dense<0.000000e+00> : vector<1000x1xf32>
    %dot_general3A_32 = tpu.matmul %max3A_28, %get3A_31, %dot_general3A {dimension_numbers = #tpu.dot_dimension_numbers<[1], [1], [0], [0], [0, 0, 1, 0], [], []>, transpose_lhs_hint = false} : vector<1000x64xf32>, vector<1x64xf32>, vector<1000x1xf32> -> vector<1000x1xf32>
    %iota3A = tpu.iota {dimensions = array<i32: 1>} : vector<1000x256xi32>
    %get3A_33 = arith.constant 0 : index
    %get3A_34 = arith.constant 0 : index
    %get3A_35 = vector.load %arg5[%get3A_33, %get3A_34] : memref<1000x1xi32, #tpu.memory_space<vmem>>, vector<1000x1xi32>
    %eq3A_36 = vector.broadcast %get3A_35 : vector<1000x1xi32> to vector<1000x256xi32>
    %eq3A_37 = arith.cmpi eq, %eq3A_36, %iota3A : vector<1000x256xi32>
    %convert_element_type3A_38 = arith.extui %eq3A_37 : vector<1000x256xi1> to vector<1000x256xi32>
    %convert_element_type3A_39 = arith.sitofp %convert_element_type3A_38 : vector<1000x256xi32> to vector<1000x256xf32>
    %get3A_40 = arith.constant 0 : index
    %get3A_41 = arith.constant 0 : index
    %get3A_42 = vector.load %arg9[%get3A_40, %get3A_41] : memref<256x1xf32, #tpu.memory_space<vmem>>, vector<256x1xf32>
    %dot_general3A_43 = arith.constant dense<0.000000e+00> : vector<256x1xf32>
    %dot_general3A_44 = tpu.matmul %convert_element_type3A_39, %dot_general3A_32, %dot_general3A_43 {dimension_numbers = #tpu.dot_dimension_numbers<[0], [0], [1], [1], [0, 1, 1, 1], [], []>, transpose_lhs_hint = false} : vector<1000x256xf32>, vector<1000x1xf32>, vector<256x1xf32> -> vector<256x1xf32>
    %add3A_45 = arith.addf %get3A_42, %dot_general3A_44 : vector<256x1xf32>
    %swap3A = arith.constant 0 : index
    %swap3A_46 = arith.constant 0 : index
    %swap3A_47 = vector.load %arg9[%swap3A, %swap3A_46] : memref<256x1xf32, #tpu.memory_space<vmem>>, vector<256x1xf32>
    tpu.vector_store %arg9[%swap3A, %swap3A_46], %add3A_45 {strides = array<i32>} : memref<256x1xf32, #tpu.memory_space<vmem>>, vector<256x1xf32>,
    %get3A_48 = arith.constant 0 : index
    %get3A_49 = arith.constant 0 : index
    %get3A_50 = vector.load %arg10[%get3A_48, %get3A_49] : memref<256x1xf32, #tpu.memory_space<vmem>>, vector<256x1xf32>
    %broadcast_in_dim3A_51 = arith.constant 1.000000e+00 : f32
    %broadcast_in_dim3A_52 = vector.broadcast %broadcast_in_dim3A_51 : f32 to vector<1000x1xf32>
    %dot_general3A_53 = arith.constant dense<0.000000e+00> : vector<256x1xf32>
    %dot_general3A_54 = tpu.matmul %convert_element_type3A_39, %broadcast_in_dim3A_52, %dot_general3A_53 {dimension_numbers = #tpu.dot_dimension_numbers<[0], [0], [1], [1], [0, 1, 1, 1], [], []>, transpose_lhs_hint = false} : vector<1000x256xf32>, vector<1000x1xf32>, vector<256x1xf32> -> vector<256x1xf32>
    %add3A_55 = arith.addf %get3A_50, %dot_general3A_54 : vector<256x1xf32>
    %swap3A_56 = arith.constant 0 : index
    %swap3A_57 = arith.constant 0 : index
    %swap3A_58 = vector.load %arg10[%swap3A_56, %swap3A_57] : memref<256x1xf32, #tpu.memory_space<vmem>>, vector<256x1xf32>
    tpu.vector_store %arg10[%swap3A_56, %swap3A_57], %add3A_55 {strides = array<i32>} : memref<256x1xf32, #tpu.memory_space<vmem>>, vector<256x1xf32>,
    %eq3A_59 = arith.constant 9 : i32
    %eq3A_60 = arith.cmpi eq, %arg0, %eq3A_59 : i32
    %convert_element_type3A_61 = arith.extui %eq3A_60 : i1 to i32
    %cond3A_62 = arith.constant 0 : i32
    %cond3A_63 = arith.cmpi ne, %convert_element_type3A_61, %cond3A_62 : i32
    scf.if %cond3A_63 {
      %get3A_64 = arith.constant 0 : index
      %get3A_65 = arith.constant 0 : index
      %get3A_66 = vector.load %arg9[%get3A_64, %get3A_65] : memref<256x1xf32, #tpu.memory_space<vmem>>, vector<256x1xf32>
      %get3A_67 = arith.constant 0 : index
      %get3A_68 = arith.constant 0 : index
      %get3A_69 = vector.load %arg10[%get3A_67, %get3A_68] : memref<256x1xf32, #tpu.memory_space<vmem>>, vector<256x1xf32>
      %max3A_70 = arith.constant 1.000000e+00 : f32
      %max3A_71 = vector.broadcast %max3A_70 : f32 to vector<256x1xf32>
      %max3A_72 = arith.maximumf %get3A_69, %max3A_71 : vector<256x1xf32>
      %div3A_73 = arith.divf %get3A_66, %max3A_72 : vector<256x1xf32>
      %get3A_74 = arith.constant 0 : index
      %get3A_75 = arith.constant 0 : index
      %get3A_76 = vector.load %arg7[%get3A_74, %get3A_75] : memref<1x1xf32, #tpu.memory_space<vmem>>, vector<1x1xf32>
      %add3A_77 = vector.broadcast %get3A_76 : vector<1x1xf32> to vector<256x1xf32>
      %add3A_78 = arith.addf %div3A_73, %add3A_77 : vector<256x1xf32>
      %swap3A_79 = arith.constant 0 : index
      %swap3A_80 = arith.constant 0 : index
      %swap3A_81 = vector.load %arg8[%swap3A_79, %swap3A_80] : memref<256x1xf32, #tpu.memory_space<vmem>>, vector<256x1xf32>
      tpu.vector_store %arg8[%swap3A_79, %swap3A_80], %add3A_78 {strides = array<i32>} : memref<256x1xf32, #tpu.memory_space<vmem>>, vector<256x1xf32>,
    } else {
    }
    return
  }
  func.func @transform_0(%arg0: i32) -> (i32, i32, i32) {
    %c0_i32 = arith.constant 0 : i32
    %c0_i32_0 = arith.constant 0 : i32
    %c0_i32_1 = arith.constant 0 : i32
    return %c0_i32, %arg0, %c0_i32_0 : i32, i32, i32
  }
  func.func @transform_1(%arg0: i32) -> (i32, i32) {
    %c0_i32 = arith.constant 0 : i32
    %c0_i32_0 = arith.constant 0 : i32
    return %arg0, %c0_i32 : i32, i32
  }
  func.func @transform_2(%arg0: i32) -> (i32, i32) {
    %c0_i32 = arith.constant 0 : i32
    %c0_i32_0 = arith.constant 0 : i32
    return %arg0, %c0_i32 : i32, i32
  }
  func.func @transform_3(%arg0: i32) -> (i32, i32) {
    %c0_i32 = arith.constant 0 : i32
    %c0_i32_0 = arith.constant 0 : i32
    %c0_i32_1 = arith.constant 0 : i32
    return %c0_i32, %c0_i32_0 : i32, i32
  }
  func.func @transform_4(%arg0: i32) -> (i32, i32) {
    %c0_i32 = arith.constant 0 : i32
    %c0_i32_0 = arith.constant 0 : i32
    return %arg0, %c0_i32 : i32, i32
  }
  func.func @transform_5(%arg0: i32) -> (i32, i32) {
    %c0_i32 = arith.constant 0 : i32
    %c0_i32_0 = arith.constant 0 : i32
    %c0_i32_1 = arith.constant 0 : i32
    return %c0_i32, %c0_i32_0 : i32, i32
  }
  func.func @transform_6(%arg0: i32) -> (i32, i32) {
    %c0_i32 = arith.constant 0 : i32
    %c0_i32_0 = arith.constant 0 : i32
    %c0_i32_1 = arith.constant 0 : i32
    return %c0_i32, %c0_i32_0 : i32, i32
  }
  func.func @transform_7(%arg0: i32) -> (i32, i32) {
    %c0_i32 = arith.constant 0 : i32
    %c0_i32_0 = arith.constant 0 : i32
    %c0_i32_1 = arith.constant 0 : i32
    return %c0_i32, %c0_i32_0 : i32, i32
  }
}

</mosaic_0001>

<sc_bundles>
// kernel: kernel.10.cloned.1.call-start
scs
__scs_entry_jumppad:
0x0: {  	(pc) =	sbr.rel $0x88, $3  }
0x1: {  	(tag) =	ssettag $0x0;
	lr =	simm.s32 $0x1  }
0x2: {  	[smem:$0x3F96] =	sst lr;
	_ =	strace $0xD0000000  }
0x3: {  	_ = 	snop  }
0x4: {  	_ = 	snop  }
0x5: {  	_ = 	snop  }
0x6: {  	_ = 	snop  }
0x7: {  	_ = 	snop  }
__scs_overlays_trampoline_lowered:
0x8: {  	[smem:$0x3FA5] =	sst s0  }
0x9: {  	[smem:$0x3FA6] =	sst s1  }
0xa: {  	[smem:$0x3FA7] =	sst s2  }
0xb: {  	[smem:$0x3FA8] =	sst s3  }
0xc: {  	[smem:$0x3FA9] =	sst s4  }
0xd: {  	[smem:$0x3FAA] =	sst s5  }
0xe: {  	[smem:$0x3FAB] =	sst s6  }
0xf: {  	[smem:$0x3FAC] =	sst s7  }
0x10: {  	[smem:$0x3FAD] =	sst s8  }
0x11: {  	[smem:$0x3FAE] =	sst s9;
	s0 =	simm.s32 @!p0 $0x0  }
0x12: {  	s1 =	sld [smem:$0x3F94];
	s0 =	simm.s32 @p0 $0x1  }
0x13: {  	[smem:$0x3FAF] =	sst s0;
	s0 =	simm.s32 @!p1 $0x0  }
0x14: {  	s2 =	sld [smem:$0x3F93];
	s0 =	simm.s32 @p1 $0x1  }
0x15: {  	[smem:$0x3FB0] =	sst s0;
	s0 =	simm.s32 @!p2 $0x0  }
0x16: {  	s3 =	sld [smem:$0x3FDB];
	s0 =	simm.s32 @p2 $0x1  }
0x17: {  	s4 =	simm.s32 $0x1BF5;
	[smem:$0x3FB2] =	sst s0  }
0x18: {  	s0 =	sld [smem:$0x3F95];
	_ =	swait.ge [sflag:s4], $0x0  }
0x19: {  	s7 =	sld [smem:$0x3F96]  }
0x1a: {  	s8 =	sadd.s32 $0xFFFFE003, lr  }
0x1b: {  	s9 =	sadd.s32 $0xFFFFFEF7, lr;
	s5 =	simm.s32 $0xFFFFFFFF;
	p2 =	slt.u32 s8, $0xFFFFF086  }
0x1c: {  	p1 =	slt.u32 s9, $0xF7A;
	s5 =	simm.s32 @!p2 $0x0  }
0x1d: {  	s5 =	simm.s32 @p1 $0x1;
	p0 =	seq.s32 s7, s2  }
0x1e: {  	s7 =	smul.u32 @!p0 $0xF7A, s2;
	p2 =	seq.s32 @!p0 s5, $0x0  }
0x1f: {  	s9 =	smul.u32 $0xF7A, s1;
	s8 =	simm.s32 @!p0 $0x1BF5;
	p2 =	por !p2, p0  }
0x20: {  	[sflag:s8] =	ssyncset.s32 @!p0 $0xFFFFF086;
	s6 =	sadd.s32 @!p0 s3, s7;
	s7 =	simm.s32 @!p0 $0x108  }
0x21: {  	s3 =	sadd.s32 s3, s9;
	s6 =	sadd.s32 @!p0 $0x88, s6;
	s7 =	simm.s32 @p2 $0x1082  }
0x22: {  	[simem:s7], [sflag:s8] =	dma.local @!p0 [hbm:s6], $0xF7A  }
0x23: {  	s9 =	sor.u32 $0xD0000000, s2;
	s6 =	simm.s32 $0x108;
	_ =	swait.ge @!p0 [sflag:s8], $0x0  }
0x24: {  	s3 =	sadd.s32 $0x88, s3;
	s6 =	simm.s32 @!p1 $0x1082;
	[sflag:s4] =	ssyncset.s32 $0xFFFFF086  }
0x25: {  	[simem:s6], [sflag:s4] =	dma.local [hbm:s3], $0xF7A  }
0x26: {  	[smem:$0x3F96] =	sst s1;
	(tag) =	ssettag s2;
	_ =	strace s9  }
0x27: {  	s1 =	sld [smem:$0x3FA6]  }
0x28: {  	s2 =	sld [smem:$0x3FA7]  }
0x29: {  	s4 =	sld [smem:$0x3FA9]  }
0x2a: {  	p0 =	seq.s32 s5, $0x0;
	s5 =	sld [smem:$0x3FAA]  }
0x2b: {  	s6 =	sld [smem:$0x3FAB]  }
0x2c: {  	s7 =	sld [smem:$0x3FAC]  }
0x2d: {  	s3 =	simm.s32 $0x108;
	s8 =	sld [smem:$0x3FAD]  }
0x2e: {  	s3 =	simm.s32 @!p0 $0x1082;
	s9 =	sld [smem:$0x3FAE]  }
0x2f: {  	lr =	sadd.s32 s0, s3;
	s0 =	sld [smem:$0x3FA5]  }
0x30: {  	s3 =	sld [smem:$0x3FA8]  }
0x31: {  	[smem:$0x3FB1] =	sst s10  }
0x32: {  	s10 =	sld [smem:$0x3FAF];
	_ =	sdelay $0x3  }
0x33: {  	p0 =	seq.s32 s10, $0x1;
	s10 =	sld [smem:$0x3FB1];
	_ =	sdelay $0x3  }
0x34: {  	[smem:$0x3FB1] =	sst s10  }
0x35: {  	s10 =	sld [smem:$0x3FB0];
	_ =	sdelay $0x3  }
0x36: {  	p1 =	seq.s32 s10, $0x1;
	s10 =	sld [smem:$0x3FB1];
	_ =	sdelay $0x3  }
0x37: {  	[smem:$0x3FB1] =	sst s10  }
0x38: {  	s10 =	sld [smem:$0x3FB2]  }
0x39: {  	_ = 	snop;
	(pc) =	sbr.ind lr, $3  }
0x3a: {  	_ = 	snop  }
0x3b: {  	_ = 	snop  }
0x3c: {  	p2 =	seq.s32 s10, $0x1;
	s10 =	sld [smem:$0x3FB1]  }
0x3d: {  	_ =	shalt  }
0x3e: {  	_ =	shalt  }
0x3f: {  	_ =	shalt  }
0x40: {  	_ =	shalt  }
0x41: {  	_ =	shalt  }
0x42: {  	_ =	shalt  }
0x43: {  	_ =	shalt  }
0x44: {  	_ =	shalt  }
0x45: {  	_ =	shalt  }
0x46: {  	_ =	shalt  }
0x47: {  	_ =	shalt  }
0x48: {  	_ =	shalt  }
0x49: {  	_ =	shalt  }
0x4a: {  	_ =	shalt  }
0x4b: {  	_ =	shalt  }
0x4c: {  	_ =	shalt  }
0x4d: {  	_ =	shalt  }
0x4e: {  	_ =	shalt  }
0x4f: {  	_ =	shalt  }
0x50: {  	_ =	shalt  }
0x51: {  	_ =	shalt  }
0x52: {  	_ =	shalt  }
0x53: {  	_ =	shalt  }
0x54: {  	_ =	shalt  }
0x55: {  	_ =	shalt  }
0x56: {  	_ =	shalt  }
0x57: {  	_ =	shalt  }
0x58: {  	_ =	shalt  }
0x59: {  	_ =	shalt  }
0x5a: {  	_ =	shalt  }
0x5b: {  	_ =	shalt  }
0x5c: {  	_ =	shalt  }
0x5d: {  	_ =	shalt  }
0x5e: {  	_ =	shalt  }
0x5f: {  	_ =	shalt  }
0x60: {  	_ =	shalt  }
0x61: {  	_ =	shalt  }
0x62: {  	_ =	shalt  }
0x63: {  	_ =	shalt  }
0x64: {  	_ =	shalt  }
0x65: {  	_ =	shalt  }
0x66: {  	_ =	shalt  }
0x67: {  	_ =	shalt  }
0x68: {  	_ =	shalt  }
0x69: {  	_ =	shalt  }
0x6a: {  	_ =	shalt  }
0x6b: {  	_ =	shalt  }
0x6c: {  	_ =	shalt  }
0x6d: {  	_ =	shalt  }
0x6e: {  	_ =	shalt  }
0x6f: {  	_ =	shalt  }
0x70: {  	_ =	shalt  }
0x71: {  	_ =	shalt  }
0x72: {  	_ =	shalt  }
0x73: {  	_ =	shalt  }
0x74: {  	_ =	shalt  }
0x75: {  	_ =	shalt  }
0x76: {  	_ =	shalt  }
0x77: {  	_ =	shalt  }
0x78: {  	_ =	shalt  }
0x79: {  	_ =	shalt  }
0x7a: {  	_ =	shalt  }
0x7b: {  	_ =	shalt  }
0x7c: {  	_ =	shalt  }
0x7d: {  	_ =	shalt  }
0x7e: {  	_ =	shalt  }
0x7f: {  	_ =	shalt  }
0x80: {  	_ =	shalt  }
0x81: {  	_ =	shalt  }
0x82: {  	_ =	shalt  }
0x83: {  	_ =	shalt  }
0x84: {  	_ =	shalt  }
0x85: {  	_ =	shalt  }
0x86: {  	_ =	shalt  }
0x87: {  	_ =	shalt  }
.Lfunc_end0:
.L_simem_size_0:
called_computation.1_lowered:
.L_overlay_start_0:
0x88: {  	s2 =	sld [smem:$0x3FD9]  }
0x89: {  	s3 =	sld [smem:$0x3FFE];
	_ =	sdelay $0x1  }
0x8a: {  	s1 =	srdreg.scid  }
0x8b: {  	s0 =	sand.u32 $0x1, s1  }
0x8c: {  	s16 =	sshll.u32 s0, $0xA;
	s2 =	sadd.s32 s3, s2  }
0x8d: {  	s2 =	sadd.s32 s2, s16  }
0x8e: {  	[smem:$0x3FBD] =	sst s2  }
0x8f: {  	_ = 	snop  }
0x90: {  	(tm) =	ssettm $0x1  }
0x91: {  	s17 =	sld [smem:$0x3FFB];
	_ =	sdelay $0x3  }
0x92: {  	_ =	strace s17  }
0x93: {  	s2 =	sld [smem:$0x3FFC];
	_ =	sdelay $0x3  }
0x94: {  	_ =	strace s2  }
0x95: {  	s2 =	sld [smem:$0x3FFD];
	_ =	sdelay $0x3  }
0x96: {  	_ =	strace s2  }
0x97: {  	_ =	strace $0x8FFFFFFF  }
0x98: {  	s18 =	sld [smem:$0x3FDB];
	_ =	sdelay $0x1  }
0x99: {  	s19 =	simm.s32 $_scs_section_size  }
0x9a: {  	s4 =	simm.s32 $_size__tile_overlayer_lowered;
	s5 =	simm.s32 $_tile_overlayer_lowered  }
0x9b: {  	s22 =	simm.s32 $0x1BFF;
	s21 =	sshll.u32 s5, $0x1;
	s2 =	sadd.s32 s19, s18  }
0x9c: {  	s6 =	simm.s32 $0x0;
	s20 =	sshll.u32 s4, $0x1;
	s4 =	sadd.s32 s21, s2  }
0x9d: {  	[timem:s6], [sflag:s22] =	dma.local [hbm:s4], s20  }
0x9e: {  	_ =	swait.ge [sflag:s22], s20  }
0x9f: {  	s3 =	ssub.s32 $0x0, s20;
	[sflag:s22] =	ssyncset.done $0x0  }
0xa0: {  	[sflag:s22] =	ssyncadd.s32 s3;
	_ =	sdelay $0x1  }
0xa1: {  	s23 =	simm.s32 $0x1B8B  }
0xa2: {  	_ =	swait.ge [sflag:s23], $0x1  }
0xa3: {  	[sflag:s23] =	ssyncset.done $0x0  }
0xa4: {  	s25 =	simm.s32 $0x1B8E;
	s24 =	sld [smem:$0x3FFE];
	[sflag:s23] =	ssyncadd.s32 $0xFFFFFFFF  }
0xa5: {  	s26 =	simm.s32 $execute0_lowered;
	[smem:$0x3FD2] =	sst s25  }
0xa6: {  	s4 =	sshll.u32 s26, $0x1;
	_ =	strace $0x80000049;
	[dreg:$0x1] =	wrdreg $0xFFFFFFFF  }
0xa7: {  	s28 =	simm.s32 $_size_execute0_lowered;
	s2 =	sadd.s32 s2, s4;
	[dreg:$0x0] =	wrdreg $0x0  }
0xa8: {  	s4 =	sshll.u32 s28, $0x1;
	[dreg:$0x2] =	wrdreg s2  }
0xa9: {  	[dreg:$0x3] =	wrdreg s4  }
0xaa: {  	[dreg:$0x4] =	wrdreg $0xC0  }
0xab: {  	_ =	task [dreg:s6], $0x5FFFF  }
0xac: {  	[dreg:$0x1] =	wrdreg $0xFFFFFFFF  }
0xad: {  	[dreg:$0x0] =	wrdreg $0x60  }
0xae: {  	[dreg:$0x2] =	wrdreg s24  }
0xaf: {  	[dreg:$0x3] =	wrdreg $0xA0000  }
0xb0: {  	[dreg:$0x4] =	wrdreg $0xEE300  }
0xb1: {  	[dreg:$0x5] =	wrdreg $0x9  }
0xb2: {  	_ =	task.clear_ibuf [dreg:s6], $0x6FFFF;
	_ =	strace $0x90000049  }
0xb3: {  	s29 =	simm.s32 $0x9;
	_ =	strace $0x8000004B  }
0xb4: {  	_ =	swait.ge [sflag:s29], $0x1  }
0xb5: {  	[sflag:s29] =	ssyncadd.s32 $0xFFFFFFFF  }
0xb6: {  	_ =	strace $0x9000004B  }
0xb7: {  	_ =	sfence  }
0xb8: {  	s30 =	sld [smem:$0x0];
	_ =	sdelay $0x2  }
0xb9: {  	s31 =	sshll.u32 s1, $0xD;
	s1 =	sshrl.u32 s1, $0x2  }
0xba: {  	s3 =	sand.u32 $0x4000, s31;
	s1 =	sadd.s32 s1, s30  }
0xbb: {  	s0 =	sor.u32 s3, s0;
	s1 =	sshll.u32 s1, $0x11  }
0xbc: {  	s0 =	sor.u32 s1, s0  }
0xbd: {  	s0 =	sadd.s32 $0x8F2B, s0  }
0xbe: {  	[sflag:s0] =	ssyncadd.remote.s32 $0x1  }
0xbf: {  	_ =	sfence.sel $0xFFFF  }
0xc0: {  	[dreg:$0x0] =	wrdreg $0xFFFFFFFF;
	(pc) =	sbr.abs _section_cstart, $3  }
0xc1: {  	[dreg:$0x1] =	wrdreg $0xFFFFFFFF  }
0xc2: {  	_ =	task.clear_ibuf [dreg:s6], $0x2FFFF;
	_ =	strace $0x9FFFFFFF  }
0xc3: {  	(tm) =	ssettm $0x7FFFFFFF  }
tec
execute0_lowered:
.L_overlay_start_1:
0x0: {  	(tag) =	ssettag $0x1  }
0x1: {  	s0 =	rddreg [dreg:$0x0]  }
0x2: {  	s1 =	rddreg [dreg:$0x1]  }
0x3: {  	s2 =	rddreg [dreg:$0x2];
	s3 =	simm.s32 $0x0;
	s4 =	srdreg.scid  }
0x4: {  	s19 =	stileid.u32;
	s12 =	simm.s32 $0x9;
	s16 =	simm.s32 $0x80  }
0x5: {  	s17 =	simm.s32 $0x13C50;
	s18 =	simm.s32 $0x14C50;
	s20 =	simm.s32 $0x15C50  }
0x6: {  	s22 =	simm.s32 $0x16C50;
	s23 =	simm.s32 $0x1;
	s28 =	simm.s32 $0x2  }
0x7: {  	s29 =	simm.s32 $0x6;
	s30 =	simm.s32 $0x3;
	s31 =	simm.s32 $0x7  }
0x8: {  	[smem:$0x7FF] =	sst s3;
	s4 =	sand.u32 $0x1, s4;
	s6 =	smul.u32 $0xA00, s19  }
0x9: {  	s10 =	smul.u32 $0x4E00, s19;
	s25 =	sadd.s32 $0x29600, s0;
	p0 =	seq.s32 s19, $0x1  }
0xa: {  	p2 =	sne.s32 s19, $0x0;
	s5 =	smul.u32 $0x9C40, s4;
	_ =	strace $0x8000004A  }
0xb: {  	s7 =	ssub.s32 $0x2, s4;
	s4 =	smul.u32 $0x4E200, s4;
	[dreg:$0x4] =	wrdreg s25  }
0xc: {  	p1 =	sne.s32 @!p0 s19, $0x0;
	s14 =	sshrl.u32 @p0 s2, $0x3;
	s9 =	sadd.s32 s6, s0  }
0xd: {  	s24 =	sshrl.u32 s7, $0x1;
	s13 =	sadd.s32 s10, s1;
	p1 =	por p1, p0  }
0xe: {  	s8 =	sadd.s32 s5, s0;
	s0 =	sadd.s32 $0x33400, s0;
	s11 =	ssub.s32 s7, s24  }
0xf: {  	s6 =	sadd.s32 $0x1F600, s9;
	s7 =	sadd.s32 $0x15600, s9;
	s26 =	sadd.s32 s10, s4  }
0x10: {  	s4 =	sshrl.u32 s4, $0x3;
	s15 =	sshrl.u32 @!p1 s1, $0x3;
	s24 =	sshrl.u32 s13, $0x3  }
0x11: {  	s13 =	simm.s32 $0x8;
	s8 =	sadd.s32 $0x1C00, s8;
	s9 =	sshrl.u32 s26, $0x3  }
0x12: {  	s11 =	smax.u32 s11, $0x1;
	s9 =	sadd.s32 s0, s9;
	s0 =	sadd.s32 s0, s4  }
0x13: {  	s26 =	simm.s32 $0x5;
	s10 =	sadd.s32 $0x9C00, s0;
	s0 =	sadd.s32 $0x4E000, s1  }
0x14: {  	s4 =	simm.s32 $0x0;
	s25 =	sshrl.u32 @!p2 s0, $0x3;
	s0 =	simm.s32 $0x4  }
.LBB2_1:
0x15: {  	[tilespmem:s3], [sflag:$0x9] =	stream.linear.gather [hbm4b:s6+s3], $0x5000, $0x38;
	[tilespmem:$0x17C50] =	vst v63  }
0x16: {  	_ =	swait.ge [sflag:s12], $0x5000  }
0x17: {  	[sflag:s12] =	ssyncset.done $0x0  }
0x18: {  	s5 =	simm.s32 $0x5000;
	[sflag:s12] =	ssyncadd.s32 $0xFFFFB000  }
0x19: {  	[tilespmem:s5], [sflag:$0x9] =	stream.linear.gather [hbm4b:s7+s3], $0x5000, $0x38;
	[tilespmem:$0x17C50] =	vst v63  }
0x1a: {  	_ =	swait.ge [sflag:s12], $0x5000  }
0x1b: {  	[sflag:s12] =	ssyncset.done $0x0  }
0x1c: {  	s19 =	simm.s32 @p0 $0x1C49;
	[sflag:s12] =	ssyncadd.s32 $0xFFFFB000  }
0x1d: {  	[spmem:s14], [sflag:s19] =	dma.local @p0 [hbm:s8], $0x9C40  }
0x1e: {  	s19 =	simm.s32 @p0 $0x9  }
0x1f: {  	_ =	swait.ge @p0 [sflag:s19], $0x9C40  }
0x20: {  	[sflag:s19] =	ssyncset.done @p0 $0x0  }
0x21: {  	s5 =	rddreg [dreg:$0x4];
	[sflag:s19] =	ssyncadd.s32 @p0 $0xFFFF63C0;
	s19 =	simm.s32 @!p1 $0x1C09  }
0x22: {  	[spmem:s15], [sflag:s19] =	dma.local @!p1 [hbm:s5], $0x9C60  }
0x23: {  	s19 =	simm.s32 @!p1 $0x9  }
0x24: {  	_ =	swait.ge @!p1 [sflag:s19], $0x9C60  }
0x25: {  	[sflag:s19] =	ssyncset.done @!p1 $0x0  }
0x26: {  	[sflag:s19] =	ssyncadd.s32 @!p1 $0xFFFF63A0  }
0x27: {  	[bflag:$0x0] =	sbarrier.arrive $0xFFFF  }
0x28: {  	[tilespmem:s17], [sflag:$0x1] =	stream.indirect.gather [spmem:s2], $0x20, s3, s16, $0xb8;
	[tilespmem:$0x17C50] =	vst v63  }
0x29: {  	_ = 	snop  }
0x2a: {  	[tilespmem:s18], [sflag:$0x2] =	stream.indirect.gather [spmem:s2], $0x20, s16, s16, $0xb8;
	[tilespmem:$0x17C50] =	vst v63  }
0x2b: {  	s21 =	simm.s32 $0x100  }
0x2c: {  	[tilespmem:s20], [sflag:$0x3] =	stream.indirect.gather [spmem:s2], $0x20, s21, s16, $0xb8;
	[tilespmem:$0x17C50] =	vst v63  }
0x2d: {  	s19 =	simm.s32 $0x180  }
0x2e: {  	[tilespmem:s22], [sflag:$0x4] =	stream.indirect.gather [spmem:s2], $0x20, s19, s16, $0xb8;
	[tilespmem:$0x17C50] =	vst v63  }
0x2f: {  	_ =	swait.ge [sflag:s23], $0x1000  }
0x30: {  	[sflag:s23] =	ssyncset.done $0x0  }
0x31: {  	s21 =	simm.s32 $0x5000;
	[sflag:s23] =	ssyncadd.s32 $0xFFFFF000  }
0x32: {  	[spmem:s1] =	stream.indirect.scatter.add.f32 [tilespmem:s17], [sflag:$0x5], $0x20, s21, s16, $0xb8;
	[tilespmem:$0x17C50] =	vst v63  }
0x33: {  	_ =	swait.ge [sflag:s26], $0x1000  }
0x34: {  	[sflag:s26] =	ssyncset.done $0x0  }
0x35: {  	s5 =	simm.s32 $0x200;
	[sflag:s26] =	ssyncadd.s32 $0xFFFFF000  }
0x36: {  	[tilespmem:s17], [sflag:$0x1] =	stream.indirect.gather [spmem:s2], $0x20, s5, s16, $0xb8;
	[tilespmem:$0x17C50] =	vst v63  }
0x37: {  	_ =	swait.ge [sflag:s28], $0x1000  }
0x38: {  	[sflag:s28] =	ssyncset.done $0x0  }
0x39: {  	s21 =	simm.s32 $0x5080;
	[sflag:s28] =	ssyncadd.s32 $0xFFFFF000  }
0x3a: {  	[spmem:s1] =	stream.indirect.scatter.add.f32 [tilespmem:s18], [sflag:$0x6], $0x20, s21, s16, $0xb8;
	[tilespmem:$0x17C50] =	vst v63  }
0x3b: {  	_ =	swait.ge [sflag:s29], $0x1000  }
0x3c: {  	[sflag:s29] =	ssyncset.done $0x0  }
0x3d: {  	s5 =	simm.s32 $0x280;
	[sflag:s29] =	ssyncadd.s32 $0xFFFFF000  }
0x3e: {  	[tilespmem:s18], [sflag:$0x2] =	stream.indirect.gather [spmem:s2], $0x20, s5, s16, $0xb8;
	[tilespmem:$0x17C50] =	vst v63  }
0x3f: {  	_ =	swait.ge [sflag:s30], $0x1000  }
0x40: {  	[sflag:s30] =	ssyncset.done $0x0  }
0x41: {  	s21 =	simm.s32 $0x5100;
	[sflag:s30] =	ssyncadd.s32 $0xFFFFF000  }
0x42: {  	[spmem:s1] =	stream.indirect.scatter.add.f32 [tilespmem:s20], [sflag:$0x7], $0x20, s21, s16, $0xb8;
	[tilespmem:$0x17C50] =	vst v63  }
0x43: {  	_ =	swait.ge [sflag:s31], $0x1000  }
0x44: {  	[sflag:s31] =	ssyncset.done $0x0  }
0x45: {  	s5 =	simm.s32 $0x300;
	[sflag:s31] =	ssyncadd.s32 $0xFFFFF000  }
0x46: {  	[tilespmem:s20], [sflag:$0x3] =	stream.indirect.gather [spmem:s2], $0x20, s5, s16, $0xb8;
	[tilespmem:$0x17C50] =	vst v63  }
0x47: {  	_ =	swait.ge [sflag:s0], $0x1000  }
0x48: {  	[sflag:s0] =	ssyncset.done $0x0  }
0x49: {  	s21 =	simm.s32 $0x5180;
	[sflag:s0] =	ssyncadd.s32 $0xFFFFF000  }
0x4a: {  	[spmem:s1] =	stream.indirect.scatter.add.f32 [tilespmem:s22], [sflag:$0x8], $0x20, s21, s16, $0xb8;
	[tilespmem:$0x17C50] =	vst v63  }
0x4b: {  	_ =	swait.ge [sflag:s13], $0x1000  }
0x4c: {  	[sflag:s13] =	ssyncset.done $0x0  }
0x4d: {  	s19 =	simm.s32 $0x380;
	s21 =	simm.s32 $0x800;
	[sflag:s13] =	ssyncadd.s32 $0xFFFFF000  }
.LBB2_2:
0x4e: {  	[tilespmem:s22], [sflag:$0x4] =	stream.indirect.gather [spmem:s2], $0x20, s19, s16, $0xb8;
	[tilespmem:$0x17C50] =	vst v63  }
0x4f: {  	s19 =	smov.u32 s21  }
0x50: {  	p3 =	sne.s32 s21, $0x13000;
	s21 =	sadd.s32 $0x800, s21;
	_ =	swait.ge [sflag:s23], $0x1000  }
0x51: {  	s19 =	sshra.s32 s19, $0x2;
	[sflag:s23] =	ssyncset.done $0x0  }
0x52: {  	s5 =	sadd.s32 $0x5000, s19;
	[sflag:s23] =	ssyncadd.s32 $0xFFFFF000  }
0x53: {  	[spmem:s1] =	stream.indirect.scatter.add.f32 [tilespmem:s17], [sflag:$0x5], $0x20, s5, s16, $0xb8;
	[tilespmem:$0x17C50] =	vst v63  }
0x54: {  	_ =	swait.ge [sflag:s26], $0x1000  }
0x55: {  	[sflag:s26] =	ssyncset.done $0x0  }
0x56: {  	s5 =	sadd.s32 $0x200, s19;
	[sflag:s26] =	ssyncadd.s32 $0xFFFFF000  }
0x57: {  	[tilespmem:s17], [sflag:$0x1] =	stream.indirect.gather [spmem:s2], $0x20, s5, s16, $0xb8;
	[tilespmem:$0x17C50] =	vst v63  }
0x58: {  	_ =	swait.ge [sflag:s28], $0x1000  }
0x59: {  	[sflag:s28] =	ssyncset.done $0x0  }
0x5a: {  	s5 =	sadd.s32 $0x5080, s19;
	[sflag:s28] =	ssyncadd.s32 $0xFFFFF000  }
0x5b: {  	[spmem:s1] =	stream.indirect.scatter.add.f32 [tilespmem:s18], [sflag:$0x6], $0x20, s5, s16, $0xb8;
	[tilespmem:$0x17C50] =	vst v63  }
0x5c: {  	_ =	swait.ge [sflag:s29], $0x1000  }
0x5d: {  	[sflag:s29] =	ssyncset.done $0x0  }
0x5e: {  	s5 =	sadd.s32 $0x280, s19;
	[sflag:s29] =	ssyncadd.s32 $0xFFFFF000  }
0x5f: {  	[tilespmem:s18], [sflag:$0x2] =	stream.indirect.gather [spmem:s2], $0x20, s5, s16, $0xb8;
	[tilespmem:$0x17C50] =	vst v63  }
0x60: {  	_ =	swait.ge [sflag:s30], $0x1000  }
0x61: {  	[sflag:s30] =	ssyncset.done $0x0  }
0x62: {  	s5 =	sadd.s32 $0x5100, s19;
	[sflag:s30] =	ssyncadd.s32 $0xFFFFF000  }
0x63: {  	[spmem:s1] =	stream.indirect.scatter.add.f32 [tilespmem:s20], [sflag:$0x7], $0x20, s5, s16, $0xb8;
	[tilespmem:$0x17C50] =	vst v63  }
0x64: {  	_ =	swait.ge [sflag:s31], $0x1000  }
0x65: {  	[sflag:s31] =	ssyncset.done $0x0  }
0x66: {  	s5 =	sadd.s32 $0x300, s19;
	[sflag:s31] =	ssyncadd.s32 $0xFFFFF000  }
0x67: {  	[tilespmem:s20], [sflag:$0x3] =	stream.indirect.gather [spmem:s2], $0x20, s5, s16, $0xb8;
	[tilespmem:$0x17C50] =	vst v63  }
0x68: {  	_ =	swait.ge [sflag:s0], $0x1000  }
0x69: {  	[sflag:s0] =	ssyncset.done $0x0  }
.Ltmp0:
0x6a: {  	s5 =	sadd.s32 $0x5180, s19;
	[sflag:s0] =	ssyncadd.s32 $0xFFFFF000;
	(pc) =	sbr.rel @p3 .LBB2_2-.Ltmp0, $4  }
0x6b: {  	[spmem:s1] =	stream.indirect.scatter.add.f32 [tilespmem:s22], [sflag:$0x8], $0x20, s5, s16, $0xb8;
	[tilespmem:$0x17C50] =	vst v63  }
0x6c: {  	_ =	swait.ge [sflag:s13], $0x1000  }
0x6d: {  	[sflag:s13] =	ssyncset.done $0x0  }
0x6e: {  	s19 =	sadd.s32 $0x380, s19;
	[sflag:s13] =	ssyncadd.s32 $0xFFFFF000  }
0x6f: {  	[tilespmem:s22], [sflag:$0x4] =	stream.indirect.gather [spmem:s2], $0x20, s19, s16, $0xb8;
	[tilespmem:$0x17C50] =	vst v63  }
0x70: {  	_ =	swait.ge [sflag:s23], $0x1000  }
0x71: {  	[sflag:s23] =	ssyncset.done $0x0  }
0x72: {  	s5 =	simm.s32 $0x9E00;
	[sflag:s23] =	ssyncadd.s32 $0xFFFFF000  }
0x73: {  	[spmem:s1] =	stream.indirect.scatter.add.f32 [tilespmem:s17], [sflag:$0x5], $0x20, s5, s16, $0xb8;
	[tilespmem:$0x17C50] =	vst v63  }
0x74: {  	_ =	swait.ge [sflag:s26], $0x1000  }
0x75: {  	[sflag:s26] =	ssyncset.done $0x0  }
0x76: {  	[sflag:s26] =	ssyncadd.s32 $0xFFFFF000  }
0x77: {  	_ =	swait.ge [sflag:s28], $0x1000  }
0x78: {  	[sflag:s28] =	ssyncset.done $0x0  }
0x79: {  	s19 =	simm.s32 $0x9E80;
	[sflag:s28] =	ssyncadd.s32 $0xFFFFF000  }
0x7a: {  	[spmem:s1] =	stream.indirect.scatter.add.f32 [tilespmem:s18], [sflag:$0x6], $0x20, s19, s16, $0xb8;
	[tilespmem:$0x17C50] =	vst v63  }
0x7b: {  	_ =	swait.ge [sflag:s29], $0x1000  }
0x7c: {  	[sflag:s29] =	ssyncset.done $0x0  }
0x7d: {  	[sflag:s29] =	ssyncadd.s32 $0xFFFFF000  }
0x7e: {  	_ =	swait.ge [sflag:s30], $0x1000  }
0x7f: {  	[sflag:s30] =	ssyncset.done $0x0  }
0x80: {  	s21 =	simm.s32 $0x9F00;
	[sflag:s30] =	ssyncadd.s32 $0xFFFFF000  }
0x81: {  	[spmem:s1] =	stream.indirect.scatter.add.f32 [tilespmem:s20], [sflag:$0x7], $0x20, s21, s16, $0xb8;
	[tilespmem:$0x17C50] =	vst v63  }
0x82: {  	_ =	swait.ge [sflag:s31], $0x1000  }
0x83: {  	[sflag:s31] =	ssyncset.done $0x0  }
0x84: {  	[sflag:s31] =	ssyncadd.s32 $0xFFFFF000  }
0x85: {  	_ =	swait.ge [sflag:s0], $0x1000  }
0x86: {  	[sflag:s0] =	ssyncset.done $0x0  }
0x87: {  	s19 =	simm.s32 $0x9F80;
	[sflag:s0] =	ssyncadd.s32 $0xFFFFF000  }
0x88: {  	[spmem:s1] =	stream.indirect.scatter.add.f32 [tilespmem:s22], [sflag:$0x8], $0x20, s19, s16, $0xb8;
	[tilespmem:$0x17C50] =	vst v63  }
0x89: {  	_ =	swait.ge [sflag:s13], $0x1000  }
0x8a: {  	s21 =	stileid.u32;
	[sflag:s13] =	ssyncset.done $0x0  }
0x8b: {  	s5 =	sshll.u32 s21, $0x6;
	[sflag:s13] =	ssyncadd.s32 $0xFFFFF000  }
0x8c: {  	s5 =	sor.u32 $0x1C09, s5;
	[bflag:$0x0] =	sbarrier.arrive $0xFFFF  }
0x8d: {  	[hbm:s9], [sflag:s5] =	dma.local [spmem:s24], $0x9C0  }
0x8e: {  	_ =	swait.ge [sflag:s12], $0x9C0  }
0x8f: {  	s4 =	sadd.s32 $0x1, s4;
	[sflag:s12] =	ssyncset.done $0x0  }
0x90: {  	p3 =	sne.s32 s4, s11;
	[sflag:s12] =	ssyncadd.s32 $0xFFFFF640  }
0x91: {  	[hbm:s10], [sflag:s5] =	dma.local @!p2 [spmem:s25], $0x40  }
.Ltmp1:
0x92: {  	_ = 	snop;
	(pc) =	sbr.rel @p3 .LBB2_1-.Ltmp1, $4  }
0x93: {  	s5 =	simm.s32 @!p2 $0x9  }
0x94: {  	_ =	swait.ge @!p2 [sflag:s5], $0x40  }
0x95: {  	[sflag:s5] =	ssyncset.done @!p2 $0x0  }
0x96: {  	[sflag:s5] =	ssyncadd.s32 @!p2 $0xFFFFFFC0  }
0x97: {  	_ =	sfence.sel $0x180000  }
0x98: {  	[bflag:$0x0] =	sbarrier.arrive $0xFFFF  }
0x99: {  	_ =	strace $0x9000004A  }
0x9a: {  	[bflag:$0x2] =	sbarrier.arrive $0xFFFF  }
0x9b: {  	s0 =	rddreg [dreg:$0x3]  }
0x9c: {  	s0 =	sadd.s32 @!p2 $0x100000, s0  }
0x9d: {  	[sflag:s0] =	ssyncadd.tile.s32 @!p2 $0x1;
	_ =	shalt  }
.Lfunc_end2:
_tile_overlayer_lowered:
.L_overlay_start_2:
0x9e: {  	(tag) =	ssettag $0x2  }
0x9f: {  	s0 =	rddreg [dreg:$0x0];
	s2 =	stileid.u32  }
0xa0: {  	s1 =	rddreg [dreg:$0x1];
	p0 =	sne.s32 s2, $0x0  }
0xa1: {  	s3 =	rddreg [dreg:$0x2];
	[bflag:$0x3] =	sbarrier.arrive $0xFFFF;
	s2 =	simm.s32 @!p0 $0x1C09  }
0xa2: {  	[timem:s3], [sflag:s2] =	dma.local @!p0 [hbm:s0], s1  }
0xa3: {  	s0 =	simm.s32 @!p0 $0x9  }
0xa4: {  	_ =	swait.ge @!p0 [sflag:s0], s1  }
0xa5: {  	s1 =	ssub.s32 @!p0 $0x0, s1;
	[sflag:s0] =	ssyncset.done @!p0 $0x0  }
0xa6: {  	[sflag:s0] =	ssyncadd.s32 @!p0 s1  }
0xa7: {  	[bflag:$0x3] =	sbarrier.arrive $0xFFFF  }
0xa8: {  	_ =	shalt  }

// kernel: kernel.7.cloned.1.call-start
scs
__scs_entry_jumppad:
0x0: {  	(pc) =	sbr.rel $0x88, $3  }
0x1: {  	(tag) =	ssettag $0x0;
	lr =	simm.s32 $0x1  }
0x2: {  	[smem:$0x3F96] =	sst lr;
	_ =	strace $0xD0000000  }
0x3: {  	_ = 	snop  }
0x4: {  	_ = 	snop  }
0x5: {  	_ = 	snop  }
0x6: {  	_ = 	snop  }
0x7: {  	_ = 	snop  }
__scs_overlays_trampoline_lowered:
0x8: {  	[smem:$0x3FA5] =	sst s0  }
0x9: {  	[smem:$0x3FA6] =	sst s1  }
0xa: {  	[smem:$0x3FA7] =	sst s2  }
0xb: {  	[smem:$0x3FA8] =	sst s3  }
0xc: {  	[smem:$0x3FA9] =	sst s4  }
0xd: {  	[smem:$0x3FAA] =	sst s5  }
0xe: {  	[smem:$0x3FAB] =	sst s6  }
0xf: {  	[smem:$0x3FAC] =	sst s7  }
0x10: {  	[smem:$0x3FAD] =	sst s8  }
0x11: {  	[smem:$0x3FAE] =	sst s9;
	s0 =	simm.s32 @!p0 $0x0  }
0x12: {  	s1 =	sld [smem:$0x3F94];
	s0 =	simm.s32 @p0 $0x1  }
0x13: {  	[smem:$0x3FAF] =	sst s0;
	s0 =	simm.s32 @!p1 $0x0  }
0x14: {  	s2 =	sld [smem:$0x3F93];
	s0 =	simm.s32 @p1 $0x1  }
0x15: {  	[smem:$0x3FB0] =	sst s0;
	s0 =	simm.s32 @!p2 $0x0  }
0x16: {  	s3 =	sld [smem:$0x3FDB];
	s0 =	simm.s32 @p2 $0x1  }
0x17: {  	s4 =	simm.s32 $0x1BF5;
	[smem:$0x3FB2] =	sst s0  }
0x18: {  	s0 =	sld [smem:$0x3F95];
	_ =	swait.ge [sflag:s4], $0x0  }
0x19: {  	s7 =	sld [smem:$0x3F96]  }
0x1a: {  	s8 =	sadd.s32 $0xFFFFE003, lr  }
0x1b: {  	s9 =	sadd.s32 $0xFFFFFEF7, lr;
	s5 =	simm.s32 $0xFFFFFFFF;
	p2 =	slt.u32 s8, $0xFFFFF086  }
0x1c: {  	p1 =	slt.u32 s9, $0xF7A;
	s5 =	simm.s32 @!p2 $0x0  }
0x1d: {  	s5 =	simm.s32 @p1 $0x1;
	p0 =	seq.s32 s7, s2  }
0x1e: {  	s7 =	smul.u32 @!p0 $0xF7A, s2;
	p2 =	seq.s32 @!p0 s5, $0x0  }
0x1f: {  	s9 =	smul.u32 $0xF7A, s1;
	s8 =	simm.s32 @!p0 $0x1BF5;
	p2 =	por !p2, p0  }
0x20: {  	[sflag:s8] =	ssyncset.s32 @!p0 $0xFFFFF086;
	s6 =	sadd.s32 @!p0 s3, s7;
	s7 =	simm.s32 @!p0 $0x108  }
0x21: {  	s3 =	sadd.s32 s3, s9;
	s6 =	sadd.s32 @!p0 $0x88, s6;
	s7 =	simm.s32 @p2 $0x1082  }
0x22: {  	[simem:s7], [sflag:s8] =	dma.local @!p0 [hbm:s6], $0xF7A  }
0x23: {  	s9 =	sor.u32 $0xD0000000, s2;
	s6 =	simm.s32 $0x108;
	_ =	swait.ge @!p0 [sflag:s8], $0x0  }
0x24: {  	s3 =	sadd.s32 $0x88, s3;
	s6 =	simm.s32 @!p1 $0x1082;
	[sflag:s4] =	ssyncset.s32 $0xFFFFF086  }
0x25: {  	[simem:s6], [sflag:s4] =	dma.local [hbm:s3], $0xF7A  }
0x26: {  	[smem:$0x3F96] =	sst s1;
	(tag) =	ssettag s2;
	_ =	strace s9  }
0x27: {  	s1 =	sld [smem:$0x3FA6]  }
0x28: {  	s2 =	sld [smem:$0x3FA7]  }
0x29: {  	s4 =	sld [smem:$0x3FA9]  }
0x2a: {  	p0 =	seq.s32 s5, $0x0;
	s5 =	sld [smem:$0x3FAA]  }
0x2b: {  	s6 =	sld [smem:$0x3FAB]  }
0x2c: {  	s7 =	sld [smem:$0x3FAC]  }
0x2d: {  	s3 =	simm.s32 $0x108;
	s8 =	sld [smem:$0x3FAD]  }
0x2e: {  	s3 =	simm.s32 @!p0 $0x1082;
	s9 =	sld [smem:$0x3FAE]  }
0x2f: {  	lr =	sadd.s32 s0, s3;
	s0 =	sld [smem:$0x3FA5]  }
0x30: {  	s3 =	sld [smem:$0x3FA8]  }
0x31: {  	[smem:$0x3FB1] =	sst s10  }
0x32: {  	s10 =	sld [smem:$0x3FAF];
	_ =	sdelay $0x3  }
0x33: {  	p0 =	seq.s32 s10, $0x1;
	s10 =	sld [smem:$0x3FB1];
	_ =	sdelay $0x3  }
0x34: {  	[smem:$0x3FB1] =	sst s10  }
0x35: {  	s10 =	sld [smem:$0x3FB0];
	_ =	sdelay $0x3  }
0x36: {  	p1 =	seq.s32 s10, $0x1;
	s10 =	sld [smem:$0x3FB1];
	_ =	sdelay $0x3  }
0x37: {  	[smem:$0x3FB1] =	sst s10  }
0x38: {  	s10 =	sld [smem:$0x3FB2]  }
0x39: {  	_ = 	snop;
	(pc) =	sbr.ind lr, $3  }
0x3a: {  	_ = 	snop  }
0x3b: {  	_ = 	snop  }
0x3c: {  	p2 =	seq.s32 s10, $0x1;
	s10 =	sld [smem:$0x3FB1]  }
0x3d: {  	_ =	shalt  }
0x3e: {  	_ =	shalt  }
0x3f: {  	_ =	shalt  }
0x40: {  	_ =	shalt  }
0x41: {  	_ =	shalt  }
0x42: {  	_ =	shalt  }
0x43: {  	_ =	shalt  }
0x44: {  	_ =	shalt  }
0x45: {  	_ =	shalt  }
0x46: {  	_ =	shalt  }
0x47: {  	_ =	shalt  }
0x48: {  	_ =	shalt  }
0x49: {  	_ =	shalt  }
0x4a: {  	_ =	shalt  }
0x4b: {  	_ =	shalt  }
0x4c: {  	_ =	shalt  }
0x4d: {  	_ =	shalt  }
0x4e: {  	_ =	shalt  }
0x4f: {  	_ =	shalt  }
0x50: {  	_ =	shalt  }
0x51: {  	_ =	shalt  }
0x52: {  	_ =	shalt  }
0x53: {  	_ =	shalt  }
0x54: {  	_ =	shalt  }
0x55: {  	_ =	shalt  }
0x56: {  	_ =	shalt  }
0x57: {  	_ =	shalt  }
0x58: {  	_ =	shalt  }
0x59: {  	_ =	shalt  }
0x5a: {  	_ =	shalt  }
0x5b: {  	_ =	shalt  }
0x5c: {  	_ =	shalt  }
0x5d: {  	_ =	shalt  }
0x5e: {  	_ =	shalt  }
0x5f: {  	_ =	shalt  }
0x60: {  	_ =	shalt  }
0x61: {  	_ =	shalt  }
0x62: {  	_ =	shalt  }
0x63: {  	_ =	shalt  }
0x64: {  	_ =	shalt  }
0x65: {  	_ =	shalt  }
0x66: {  	_ =	shalt  }
0x67: {  	_ =	shalt  }
0x68: {  	_ =	shalt  }
0x69: {  	_ =	shalt  }
0x6a: {  	_ =	shalt  }
0x6b: {  	_ =	shalt  }
0x6c: {  	_ =	shalt  }
0x6d: {  	_ =	shalt  }
0x6e: {  	_ =	shalt  }
0x6f: {  	_ =	shalt  }
0x70: {  	_ =	shalt  }
0x71: {  	_ =	shalt  }
0x72: {  	_ =	shalt  }
0x73: {  	_ =	shalt  }
0x74: {  	_ =	shalt  }
0x75: {  	_ =	shalt  }
0x76: {  	_ =	shalt  }
0x77: {  	_ =	shalt  }
0x78: {  	_ =	shalt  }
0x79: {  	_ =	shalt  }
0x7a: {  	_ =	shalt  }
0x7b: {  	_ =	shalt  }
0x7c: {  	_ =	shalt  }
0x7d: {  	_ =	shalt  }
0x7e: {  	_ =	shalt  }
0x7f: {  	_ =	shalt  }
0x80: {  	_ =	shalt  }
0x81: {  	_ =	shalt  }
0x82: {  	_ =	shalt  }
0x83: {  	_ =	shalt  }
0x84: {  	_ =	shalt  }
0x85: {  	_ =	shalt  }
0x86: {  	_ =	shalt  }
0x87: {  	_ =	shalt  }
.Lfunc_end0:
.L_simem_size_0:
called_computation_lowered:
.L_overlay_start_0:
0x88: {  	s2 =	sld [smem:$0x3FD9]  }
0x89: {  	s3 =	sld [smem:$0x3FFE];
	_ =	sdelay $0x1  }
0x8a: {  	s1 =	srdreg.scid  }
0x8b: {  	s0 =	sand.u32 $0x1, s1  }
0x8c: {  	s16 =	sshll.u32 s0, $0xA;
	s2 =	sadd.s32 s3, s2  }
0x8d: {  	s2 =	sadd.s32 s2, s16  }
0x8e: {  	[smem:$0x3FBD] =	sst s2  }
0x8f: {  	_ = 	snop  }
0x90: {  	(tm) =	ssettm $0x1  }
0x91: {  	s17 =	sld [smem:$0x3FFB];
	_ =	sdelay $0x3  }
0x92: {  	_ =	strace s17  }
0x93: {  	s2 =	sld [smem:$0x3FFC];
	_ =	sdelay $0x3  }
0x94: {  	_ =	strace s2  }
0x95: {  	s2 =	sld [smem:$0x3FFD];
	_ =	sdelay $0x3  }
0x96: {  	_ =	strace s2  }
0x97: {  	_ =	strace $0x8FFFFFFF  }
0x98: {  	s18 =	sld [smem:$0x3FDB];
	_ =	sdelay $0x1  }
0x99: {  	s19 =	simm.s32 $_scs_section_size  }
0x9a: {  	s4 =	simm.s32 $_size__tile_overlayer_lowered;
	s5 =	simm.s32 $_tile_overlayer_lowered  }
0x9b: {  	s22 =	simm.s32 $0x1BFF;
	s21 =	sshll.u32 s5, $0x1;
	s2 =	sadd.s32 s19, s18  }
0x9c: {  	s6 =	simm.s32 $0x0;
	s20 =	sshll.u32 s4, $0x1;
	s4 =	sadd.s32 s21, s2  }
0x9d: {  	[timem:s6], [sflag:s22] =	dma.local [hbm:s4], s20  }
0x9e: {  	_ =	swait.ge [sflag:s22], s20  }
0x9f: {  	s3 =	ssub.s32 $0x0, s20;
	[sflag:s22] =	ssyncset.done $0x0  }
0xa0: {  	[sflag:s22] =	ssyncadd.s32 s3;
	_ =	sdelay $0x1  }
0xa1: {  	s23 =	simm.s32 $0x1B8B  }
0xa2: {  	_ =	swait.ge [sflag:s23], $0x1  }
0xa3: {  	[sflag:s23] =	ssyncset.done $0x0  }
0xa4: {  	s25 =	simm.s32 $0x1B8E;
	s24 =	sld [smem:$0x3FFE];
	[sflag:s23] =	ssyncadd.s32 $0xFFFFFFFF  }
0xa5: {  	s26 =	simm.s32 $execute0_lowered;
	[smem:$0x3FD2] =	sst s25  }
0xa6: {  	s4 =	sshll.u32 s26, $0x1;
	_ =	strace $0x80000046;
	[dreg:$0x1] =	wrdreg $0xFFFFFFFF  }
0xa7: {  	s28 =	simm.s32 $_size_execute0_lowered;
	s2 =	sadd.s32 s2, s4;
	[dreg:$0x0] =	wrdreg $0x0  }
0xa8: {  	s4 =	sshll.u32 s28, $0x1;
	[dreg:$0x2] =	wrdreg s2  }
0xa9: {  	[dreg:$0x3] =	wrdreg s4  }
0xaa: {  	[dreg:$0x4] =	wrdreg $0xC0  }
0xab: {  	_ =	task [dreg:s6], $0x5FFFF  }
0xac: {  	[dreg:$0x1] =	wrdreg $0xFFFFFFFF  }
0xad: {  	[dreg:$0x0] =	wrdreg $0x60  }
0xae: {  	[dreg:$0x2] =	wrdreg s24  }
0xaf: {  	[dreg:$0x3] =	wrdreg $0xA0000  }
0xb0: {  	[dreg:$0x4] =	wrdreg $0xEE300  }
0xb1: {  	[dreg:$0x5] =	wrdreg $0x9  }
0xb2: {  	_ =	task.clear_ibuf [dreg:s6], $0x6FFFF;
	_ =	strace $0x90000046  }
0xb3: {  	s29 =	simm.s32 $0x9;
	_ =	strace $0x80000048  }
0xb4: {  	_ =	swait.ge [sflag:s29], $0x1  }
0xb5: {  	[sflag:s29] =	ssyncadd.s32 $0xFFFFFFFF  }
0xb6: {  	_ =	strace $0x90000048  }
0xb7: {  	_ =	sfence  }
0xb8: {  	s30 =	sld [smem:$0x0];
	_ =	sdelay $0x2  }
0xb9: {  	s31 =	sshll.u32 s1, $0xD;
	s1 =	sshrl.u32 s1, $0x2  }
0xba: {  	s3 =	sand.u32 $0x4000, s31;
	s1 =	sadd.s32 s1, s30  }
0xbb: {  	s0 =	sor.u32 s3, s0;
	s1 =	sshll.u32 s1, $0x11  }
0xbc: {  	s0 =	sor.u32 s1, s0  }
0xbd: {  	s0 =	sadd.s32 $0x8F2B, s0  }
0xbe: {  	[sflag:s0] =	ssyncadd.remote.s32 $0x1  }
0xbf: {  	_ =	sfence.sel $0xFFFF  }
0xc0: {  	[dreg:$0x0] =	wrdreg $0xFFFFFFFF;
	(pc) =	sbr.abs _section_cstart, $3  }
0xc1: {  	[dreg:$0x1] =	wrdreg $0xFFFFFFFF  }
0xc2: {  	_ =	task.clear_ibuf [dreg:s6], $0x2FFFF;
	_ =	strace $0x9FFFFFFF  }
0xc3: {  	(tm) =	ssettm $0x7FFFFFFF  }
tec
execute0_lowered:
.L_overlay_start_1:
0x0: {  	(tag) =	ssettag $0x1  }
0x1: {  	s0 =	rddreg [dreg:$0x0]  }
0x2: {  	s1 =	rddreg [dreg:$0x1]  }
0x3: {  	s2 =	rddreg [dreg:$0x2];
	s3 =	srdreg.scid  }
0x4: {  	s14 =	stileid.u32;
	s4 =	simm.s32 $0x0;
	s17 =	simm.s32 $0x80  }
0x5: {  	s18 =	simm.s32 $0x16370;
	s19 =	simm.s32 $0x17370;
	s28 =	simm.s32 $0x1  }
0x6: {  	s29 =	simm.s32 $0x5;
	s30 =	simm.s32 $0x2;
	s31 =	simm.s32 $0x6  }
0x7: {  	s20 =	simm.s32 $0x4;
	s3 =	sand.u32 $0x1, s3;
	s6 =	sshll.u32 s14, $0x1  }
0x8: {  	[smem:$0x7FF] =	sst s4;
	s7 =	smul.u32 $0xA00, s14;
	s8 =	sadd.s32 $0x29600, s0  }
0x9: {  	s12 =	smul.u32 $0x4E00, s14;
	s13 =	sadd.s32 $0x3D200, s0;
	p0 =	seq.s32 s14, $0x1  }
0xa: {  	p2 =	sne.s32 s14, $0x0;
	s5 =	smul.u32 $0x9C40, s3;
	s6 =	sor.u32 s3, s6  }
0xb: {  	_ =	strace $0x80000047;
	s11 =	smul.u32 $0x4E200, s3;
	[dreg:$0x4] =	wrdreg s8  }
0xc: {  	s21 =	ssub.s32 $0x2, s3;
	s3 =	smul.u32 $0xA000, s3;
	p1 =	sne.s32 @!p0 s14, $0x0  }
0xd: {  	s15 =	sshrl.u32 @p0 s2, $0x3;
	s14 =	simm.s32 $0x7;
	s6 =	smul.u32 $0x4E4, s6  }
0xe: {  	s7 =	sadd.s32 s7, s0;
	s22 =	sshrl.u32 s21, $0x1;
	s26 =	sadd.s32 s12, s1  }
0xf: {  	p1 =	por p1, p0;
	s5 =	sadd.s32 s5, s0;
	s23 =	sadd.s32 $0x1F600, s7  }
0x10: {  	s9 =	sadd.s32 s12, s11;
	s7 =	sadd.s32 $0x15600, s7;
	s25 =	sshrl.u32 s11, $0x3  }
0x11: {  	s3 =	sshrl.u32 s3, $0x2;
	s16 =	sshrl.u32 @!p1 s1, $0x3;
	[dreg:$0x5] =	wrdreg s23  }
0x12: {  	s0 =	sadd.s32 s6, s0;
	s6 =	ssub.s32 s21, s22;
	[dreg:$0x6] =	wrdreg s7  }
0x13: {  	s8 =	sadd.s32 $0x1C00, s5;
	s24 =	sshrl.u32 s9, $0x3;
	s3 =	sadd.s32 $0x5040, s3  }
0x14: {  	s21 =	simm.s32 $0x18370;
	s23 =	sshrl.u32 s26, $0x3;
	s26 =	simm.s32 $0x13C50  }
0x15: {  	s22 =	simm.s32 $0x8;
	s9 =	sadd.s32 $0x33400, s0;
	s10 =	sadd.s32 s13, s24;
	v0 =	vmov s3  }
0x16: {  	s0 =	sadd.s32 s13, s25;
	s12 =	smax.u32 s6, $0x1;
	s13 =	simm.s32 $0x9  }
0x17: {  	s25 =	simm.s32 $0x19370;
	s11 =	sadd.s32 $0x9C00, s0;
	s0 =	sadd.s32 $0x4E000, s1  }
0x18: {  	v1 =	vimm.f32 $0.0e+00;
	v2 =	vimm.f32 $1.000000000e+00;
	s3 =	simm.s32 $0x0;
	s24 =	sshrl.u32 @!p2 s0, $0x3;
	s0 =	simm.s32 $0x3  }
.LBB2_1:
0x19: {  	s5 =	rddreg [dreg:$0x5]  }
0x1a: {  	[tilespmem:s4], [sflag:$0x9] =	stream.linear.gather [hbm4b:s5+s4], $0x5000, $0x38;
	[tilespmem:$0x1A370] =	vst v63  }
0x1b: {  	_ =	swait.ge [sflag:s13], $0x5000  }
0x1c: {  	[sflag:s13] =	ssyncset.done $0x0  }
0x1d: {  	s6 =	simm.s32 $0x5000;
	s7 =	rddreg [dreg:$0x6];
	[sflag:s13] =	ssyncadd.s32 $0xFFFFB000  }
0x1e: {  	[tilespmem:s6], [sflag:$0x9] =	stream.linear.gather [hbm4b:s7+s4], $0x5000, $0x38;
	[tilespmem:$0x1A370] =	vst v63  }
0x1f: {  	_ =	swait.ge [sflag:s13], $0x5000  }
0x20: {  	[sflag:s13] =	ssyncset.done $0x0  }
0x21: {  	s5 =	simm.s32 @p0 $0x1C49;
	[sflag:s13] =	ssyncadd.s32 $0xFFFFB000  }
0x22: {  	[spmem:s15], [sflag:s5] =	dma.local @p0 [hbm:s8], $0x9C40  }
0x23: {  	s5 =	simm.s32 @p0 $0x9  }
0x24: {  	_ =	swait.ge @p0 [sflag:s5], $0x9C40  }
0x25: {  	[sflag:s5] =	ssyncset.done @p0 $0x0  }
0x26: {  	s6 =	rddreg [dreg:$0x4];
	[sflag:s5] =	ssyncadd.s32 @p0 $0xFFFF63C0;
	s5 =	simm.s32 @!p1 $0x1C09  }
0x27: {  	[spmem:s16], [sflag:s5] =	dma.local @!p1 [hbm:s6], $0x9C60  }
0x28: {  	s5 =	simm.s32 @!p1 $0x9  }
0x29: {  	_ =	swait.ge @!p1 [sflag:s5], $0x9C60  }
0x2a: {  	[sflag:s5] =	ssyncset.done @!p1 $0x0  }
0x2b: {  	s6 =	simm.s32 $0x0;
	[sflag:s5] =	ssyncadd.s32 @!p1 $0xFFFF63A0;
	s5 =	simm.s32 $0x40  }
.LBB2_2:
0x2c: {  	p3 =	sne.s32 s5, $0x9C40;
	[tilespmem:s6+$0x13C50] =	vst v1;
	s6 =	smov.u32 s5;
	s5 =	sadd.s32 $0x40, s5  }
.Ltmp0:
0x2d: {  	(pc) =	sbr.rel @p3 .LBB2_2-.Ltmp0, $2  }
0x2e: {  	_ =	sdelay $0x2  }
0x2f: {  	s6 =	sshra.s32 s6, $0x2  }
0x30: {  	[tilespmem:s6+$0x13C50] =	vst v1  }
0x31: {  	s5 =	simm.s32 $0x0;
	[bflag:$0x0] =	sbarrier.arrive $0xFFFF  }
0x32: {  	[tilespmem:s18], [sflag:$0x1] =	stream.indirect.gather [spmem:s2], $0x20, s5, s17, $0xb8;
	[tilespmem:$0x1A370] =	vst v63  }
0x33: {  	_ = 	snop  }
0x34: {  	[tilespmem:s19], [sflag:$0x2] =	stream.indirect.gather [spmem:s2], $0x20, s17, s17, $0xb8;
	[tilespmem:$0x1A370] =	vst v63  }
0x35: {  	s7 =	simm.s32 $0x100  }
0x36: {  	[tilespmem:s21], [sflag:$0x3] =	stream.indirect.gather [spmem:s2], $0x20, s7, s17, $0xb8;
	[tilespmem:$0x1A370] =	vst v63  }
0x37: {  	s7 =	simm.s32 $0x180  }
0x38: {  	[tilespmem:s25], [sflag:$0x4] =	stream.indirect.gather [spmem:s2], $0x20, s7, s17, $0xb8;
	[tilespmem:$0x1A370] =	vst v63  }
.LBB2_4:
0x39: {  	s6 =	sshra.s32 s5, $0x2  }
0x3a: {  	v3 =	vld.idx.msk [tilespmem:v0+s6+$0xFFFFFFC0 ss:$0x1], $0xffff;
	_ =	sdelay $0x7  }
0x3b: {  	[tilespmem:v3+s26+$0x0] =	vst.idx.add.f32.msk $0xffff, v2  }
0x3c: {  	v3 =	vld.idx.msk [tilespmem:v0+s6+$0xFFFFFFD0 ss:$0x1], $0xffff;
	_ =	sdelay $0x7  }
0x3d: {  	[tilespmem:v3+s26+$0x0] =	vst.idx.add.f32.msk $0xffff, v2  }
0x3e: {  	v3 =	vld.idx.msk [tilespmem:v0+s6+$0xFFFFFFE0 ss:$0x1], $0xffff;
	_ =	sdelay $0x7  }
0x3f: {  	[tilespmem:v3+s26+$0x0] =	vst.idx.add.f32.msk $0xffff, v2  }
0x40: {  	v3 =	vld.idx.msk [tilespmem:v0+s6+$0xFFFFFFF0 ss:$0x1], $0xffff;
	_ =	sdelay $0x7  }
0x41: {  	[tilespmem:v3+s26+$0x0] =	vst.idx.add.f32.msk $0xffff, v2  }
0x42: {  	v3 =	vld.idx.msk [tilespmem:v0+s6+$0x0 ss:$0x1], $0xffff;
	_ =	sdelay $0x7  }
0x43: {  	[tilespmem:v3+s26+$0x0] =	vst.idx.add.f32.msk $0xffff, v2  }
0x44: {  	v3 =	vld.idx.msk [tilespmem:v0+s6+$0x10 ss:$0x1], $0xffff;
	_ =	sdelay $0x7  }
0x45: {  	[tilespmem:v3+s26+$0x0] =	vst.idx.add.f32.msk $0xffff, v2  }
0x46: {  	v3 =	vld.idx.msk [tilespmem:v0+s6+$0x20 ss:$0x1], $0xffff;
	_ =	sdelay $0x7  }
0x47: {  	[tilespmem:v3+s26+$0x0] =	vst.idx.add.f32.msk $0xffff, v2  }
0x48: {  	v3 =	vld.idx.msk [tilespmem:v0+s6+$0x30 ss:$0x1], $0xffff;
	_ =	sdelay $0x2  }
0x49: {  	p3 =	sne.s32 s5, $0x9E00  }
.Ltmp1:
0x4a: {  	_ = 	snop;
	(pc) =	sbr.rel @p3 .LBB2_4-.Ltmp1, $2  }
0x4b: {  	_ =	sdelay $0x2  }
0x4c: {  	s5 =	sadd.s32 $0x200, s5;
	[tilespmem:v3+s26+$0x0] =	vst.idx.add.f32.msk $0xffff, v2  }
0x4d: {  	_ =	swait.ge [sflag:s28], $0x1000  }
0x4e: {  	[sflag:s28] =	ssyncset.done $0x0  }
0x4f: {  	s5 =	simm.s32 $0x5000;
	[sflag:s28] =	ssyncadd.s32 $0xFFFFF000  }
0x50: {  	[spmem:s1] =	stream.indirect.scatter.add.f32 [tilespmem:s18], [sflag:$0x5], $0x20, s5, s17, $0xb8;
	[tilespmem:$0x1A370] =	vst v63  }
0x51: {  	_ =	swait.ge [sflag:s29], $0x1000  }
0x52: {  	[sflag:s29] =	ssyncset.done $0x0  }
0x53: {  	s6 =	simm.s32 $0x200;
	[sflag:s29] =	ssyncadd.s32 $0xFFFFF000  }
0x54: {  	[tilespmem:s18], [sflag:$0x1] =	stream.indirect.gather [spmem:s2], $0x20, s6, s17, $0xb8;
	[tilespmem:$0x1A370] =	vst v63  }
0x55: {  	_ =	swait.ge [sflag:s30], $0x1000  }
0x56: {  	[sflag:s30] =	ssyncset.done $0x0  }
0x57: {  	s7 =	simm.s32 $0x5080;
	[sflag:s30] =	ssyncadd.s32 $0xFFFFF000  }
0x58: {  	[spmem:s1] =	stream.indirect.scatter.add.f32 [tilespmem:s19], [sflag:$0x6], $0x20, s7, s17, $0xb8;
	[tilespmem:$0x1A370] =	vst v63  }
0x59: {  	_ =	swait.ge [sflag:s31], $0x1000  }
0x5a: {  	[sflag:s31] =	ssyncset.done $0x0  }
0x5b: {  	s6 =	simm.s32 $0x280;
	[sflag:s31] =	ssyncadd.s32 $0xFFFFF000  }
0x5c: {  	[tilespmem:s19], [sflag:$0x2] =	stream.indirect.gather [spmem:s2], $0x20, s6, s17, $0xb8;
	[tilespmem:$0x1A370] =	vst v63  }
0x5d: {  	_ =	swait.ge [sflag:s0], $0x1000  }
0x5e: {  	[sflag:s0] =	ssyncset.done $0x0  }
0x5f: {  	s7 =	simm.s32 $0x5100;
	[sflag:s0] =	ssyncadd.s32 $0xFFFFF000  }
0x60: {  	[spmem:s1] =	stream.indirect.scatter.add.f32 [tilespmem:s21], [sflag:$0x7], $0x20, s7, s17, $0xb8;
	[tilespmem:$0x1A370] =	vst v63  }
0x61: {  	_ =	swait.ge [sflag:s14], $0x1000  }
0x62: {  	[sflag:s14] =	ssyncset.done $0x0  }
0x63: {  	s6 =	simm.s32 $0x300;
	[sflag:s14] =	ssyncadd.s32 $0xFFFFF000  }
0x64: {  	[tilespmem:s21], [sflag:$0x3] =	stream.indirect.gather [spmem:s2], $0x20, s6, s17, $0xb8;
	[tilespmem:$0x1A370] =	vst v63  }
0x65: {  	_ =	swait.ge [sflag:s20], $0x1000  }
0x66: {  	[sflag:s20] =	ssyncset.done $0x0  }
0x67: {  	s7 =	simm.s32 $0x5180;
	[sflag:s20] =	ssyncadd.s32 $0xFFFFF000  }
0x68: {  	[spmem:s1] =	stream.indirect.scatter.add.f32 [tilespmem:s25], [sflag:$0x8], $0x20, s7, s17, $0xb8;
	[tilespmem:$0x1A370] =	vst v63  }
0x69: {  	_ =	swait.ge [sflag:s22], $0x1000  }
0x6a: {  	[sflag:s22] =	ssyncset.done $0x0  }
0x6b: {  	s5 =	simm.s32 $0x800;
	s6 =	simm.s32 $0x380;
	[sflag:s22] =	ssyncadd.s32 $0xFFFFF000  }
.LBB2_6:
0x6c: {  	[tilespmem:s25], [sflag:$0x4] =	stream.indirect.gather [spmem:s2], $0x20, s6, s17, $0xb8;
	[tilespmem:$0x1A370] =	vst v63  }
0x6d: {  	s6 =	smov.u32 s5  }
0x6e: {  	p3 =	sne.s32 s5, $0x13000;
	s5 =	sadd.s32 $0x800, s5;
	_ =	swait.ge [sflag:s28], $0x1000  }
0x6f: {  	s6 =	sshra.s32 s6, $0x2;
	[sflag:s28] =	ssyncset.done $0x0  }
0x70: {  	s7 =	sadd.s32 $0x5000, s6;
	[sflag:s28] =	ssyncadd.s32 $0xFFFFF000  }
0x71: {  	[spmem:s1] =	stream.indirect.scatter.add.f32 [tilespmem:s18], [sflag:$0x5], $0x20, s7, s17, $0xb8;
	[tilespmem:$0x1A370] =	vst v63  }
0x72: {  	_ =	swait.ge [sflag:s29], $0x1000  }
0x73: {  	[sflag:s29] =	ssyncset.done $0x0  }
0x74: {  	s7 =	sadd.s32 $0x200, s6;
	[sflag:s29] =	ssyncadd.s32 $0xFFFFF000  }
0x75: {  	[tilespmem:s18], [sflag:$0x1] =	stream.indirect.gather [spmem:s2], $0x20, s7, s17, $0xb8;
	[tilespmem:$0x1A370] =	vst v63  }
0x76: {  	_ =	swait.ge [sflag:s30], $0x1000  }
0x77: {  	[sflag:s30] =	ssyncset.done $0x0  }
0x78: {  	s7 =	sadd.s32 $0x5080, s6;
	[sflag:s30] =	ssyncadd.s32 $0xFFFFF000  }
0x79: {  	[spmem:s1] =	stream.indirect.scatter.add.f32 [tilespmem:s19], [sflag:$0x6], $0x20, s7, s17, $0xb8;
	[tilespmem:$0x1A370] =	vst v63  }
0x7a: {  	_ =	swait.ge [sflag:s31], $0x1000  }
0x7b: {  	[sflag:s31] =	ssyncset.done $0x0  }
0x7c: {  	s7 =	sadd.s32 $0x280, s6;
	[sflag:s31] =	ssyncadd.s32 $0xFFFFF000  }
0x7d: {  	[tilespmem:s19], [sflag:$0x2] =	stream.indirect.gather [spmem:s2], $0x20, s7, s17, $0xb8;
	[tilespmem:$0x1A370] =	vst v63  }
0x7e: {  	_ =	swait.ge [sflag:s0], $0x1000  }
0x7f: {  	[sflag:s0] =	ssyncset.done $0x0  }
0x80: {  	s7 =	sadd.s32 $0x5100, s6;
	[sflag:s0] =	ssyncadd.s32 $0xFFFFF000  }
0x81: {  	[spmem:s1] =	stream.indirect.scatter.add.f32 [tilespmem:s21], [sflag:$0x7], $0x20, s7, s17, $0xb8;
	[tilespmem:$0x1A370] =	vst v63  }
0x82: {  	_ =	swait.ge [sflag:s14], $0x1000  }
0x83: {  	[sflag:s14] =	ssyncset.done $0x0  }
0x84: {  	s7 =	sadd.s32 $0x300, s6;
	[sflag:s14] =	ssyncadd.s32 $0xFFFFF000  }
0x85: {  	[tilespmem:s21], [sflag:$0x3] =	stream.indirect.gather [spmem:s2], $0x20, s7, s17, $0xb8;
	[tilespmem:$0x1A370] =	vst v63  }
0x86: {  	_ =	swait.ge [sflag:s20], $0x1000  }
0x87: {  	[sflag:s20] =	ssyncset.done $0x0  }
.Ltmp2:
0x88: {  	s7 =	sadd.s32 $0x5180, s6;
	[sflag:s20] =	ssyncadd.s32 $0xFFFFF000;
	(pc) =	sbr.rel @p3 .LBB2_6-.Ltmp2, $4  }
0x89: {  	[spmem:s1] =	stream.indirect.scatter.add.f32 [tilespmem:s25], [sflag:$0x8], $0x20, s7, s17, $0xb8;
	[tilespmem:$0x1A370] =	vst v63  }
0x8a: {  	_ =	swait.ge [sflag:s22], $0x1000  }
0x8b: {  	[sflag:s22] =	ssyncset.done $0x0  }
0x8c: {  	s6 =	sadd.s32 $0x380, s6;
	[sflag:s22] =	ssyncadd.s32 $0xFFFFF000  }
0x8d: {  	[tilespmem:s25], [sflag:$0x4] =	stream.indirect.gather [spmem:s2], $0x20, s6, s17, $0xb8;
	[tilespmem:$0x1A370] =	vst v63  }
0x8e: {  	_ =	swait.ge [sflag:s28], $0x1000  }
0x8f: {  	[sflag:s28] =	ssyncset.done $0x0  }
0x90: {  	s5 =	simm.s32 $0x9E00;
	[sflag:s28] =	ssyncadd.s32 $0xFFFFF000  }
0x91: {  	[spmem:s1] =	stream.indirect.scatter.add.f32 [tilespmem:s18], [sflag:$0x5], $0x20, s5, s17, $0xb8;
	[tilespmem:$0x1A370] =	vst v63  }
0x92: {  	_ =	swait.ge [sflag:s29], $0x1000  }
0x93: {  	[sflag:s29] =	ssyncset.done $0x0  }
0x94: {  	[sflag:s29] =	ssyncadd.s32 $0xFFFFF000  }
0x95: {  	_ =	swait.ge [sflag:s30], $0x1000  }
0x96: {  	[sflag:s30] =	ssyncset.done $0x0  }
0x97: {  	s6 =	simm.s32 $0x9E80;
	[sflag:s30] =	ssyncadd.s32 $0xFFFFF000  }
0x98: {  	[spmem:s1] =	stream.indirect.scatter.add.f32 [tilespmem:s19], [sflag:$0x6], $0x20, s6, s17, $0xb8;
	[tilespmem:$0x1A370] =	vst v63  }
0x99: {  	_ =	swait.ge [sflag:s31], $0x1000  }
0x9a: {  	[sflag:s31] =	ssyncset.done $0x0  }
0x9b: {  	[sflag:s31] =	ssyncadd.s32 $0xFFFFF000  }
0x9c: {  	_ =	swait.ge [sflag:s0], $0x1000  }
0x9d: {  	[sflag:s0] =	ssyncset.done $0x0  }
0x9e: {  	s7 =	simm.s32 $0x9F00;
	[sflag:s0] =	ssyncadd.s32 $0xFFFFF000  }
0x9f: {  	[spmem:s1] =	stream.indirect.scatter.add.f32 [tilespmem:s21], [sflag:$0x7], $0x20, s7, s17, $0xb8;
	[tilespmem:$0x1A370] =	vst v63  }
0xa0: {  	_ =	swait.ge [sflag:s14], $0x1000  }
0xa1: {  	[sflag:s14] =	ssyncset.done $0x0  }
0xa2: {  	[sflag:s14] =	ssyncadd.s32 $0xFFFFF000  }
0xa3: {  	_ =	swait.ge [sflag:s20], $0x1000  }
0xa4: {  	[sflag:s20] =	ssyncset.done $0x0  }
0xa5: {  	s6 =	simm.s32 $0x9F80;
	[sflag:s20] =	ssyncadd.s32 $0xFFFFF000  }
0xa6: {  	[spmem:s1] =	stream.indirect.scatter.add.f32 [tilespmem:s25], [sflag:$0x8], $0x20, s6, s17, $0xb8;
	[tilespmem:$0x1A370] =	vst v63  }
0xa7: {  	_ =	swait.ge [sflag:s22], $0x1000  }
0xa8: {  	[sflag:s22] =	ssyncset.done $0x0  }
0xa9: {  	[sflag:s22] =	ssyncadd.s32 $0xFFFFF000  }
0xaa: {  	[hbm4b:s9+s4] =	stream.linear.scatter [tilespmem:s26], [sflag:$0x9], $0x2720, $0x38;
	[tilespmem:$0x1A370] =	vst v63  }
0xab: {  	_ =	swait.ge [sflag:s13], $0x2720  }
0xac: {  	s7 =	stileid.u32;
	[sflag:s13] =	ssyncset.done $0x0  }
0xad: {  	s5 =	sshll.u32 s7, $0x6;
	[sflag:s13] =	ssyncadd.s32 $0xFFFFD8E0  }
0xae: {  	s5 =	sor.u32 $0x1C09, s5;
	[bflag:$0x0] =	sbarrier.arrive $0xFFFF  }
0xaf: {  	[hbm:s10], [sflag:s5] =	dma.local [spmem:s23], $0x9C0  }
0xb0: {  	_ =	swait.ge [sflag:s13], $0x9C0  }
0xb1: {  	s3 =	sadd.s32 $0x1, s3;
	[sflag:s13] =	ssyncset.done $0x0  }
0xb2: {  	p3 =	sne.s32 s3, s12;
	[sflag:s13] =	ssyncadd.s32 $0xFFFFF640  }
0xb3: {  	[hbm:s11], [sflag:s5] =	dma.local @!p2 [spmem:s24], $0x40  }
.Ltmp3:
0xb4: {  	_ = 	snop;
	(pc) =	sbr.rel @p3 .LBB2_1-.Ltmp3, $4  }
0xb5: {  	s5 =	simm.s32 @!p2 $0x9  }
0xb6: {  	_ =	swait.ge @!p2 [sflag:s5], $0x40  }
0xb7: {  	[sflag:s5] =	ssyncset.done @!p2 $0x0  }
0xb8: {  	[sflag:s5] =	ssyncadd.s32 @!p2 $0xFFFFFFC0  }
0xb9: {  	_ =	sfence.sel $0x180000  }
0xba: {  	[bflag:$0x0] =	sbarrier.arrive $0xFFFF  }
0xbb: {  	_ =	strace $0x90000047  }
0xbc: {  	[bflag:$0x2] =	sbarrier.arrive $0xFFFF  }
0xbd: {  	s0 =	rddreg [dreg:$0x3]  }
0xbe: {  	s0 =	sadd.s32 @!p2 $0x100000, s0  }
0xbf: {  	[sflag:s0] =	ssyncadd.tile.s32 @!p2 $0x1;
	_ =	shalt  }
.Lfunc_end2:
_tile_overlayer_lowered:
.L_overlay_start_2:
0xc0: {  	(tag) =	ssettag $0x2  }
0xc1: {  	s0 =	rddreg [dreg:$0x0];
	s2 =	stileid.u32  }
0xc2: {  	s1 =	rddreg [dreg:$0x1];
	p0 =	sne.s32 s2, $0x0  }
0xc3: {  	s3 =	rddreg [dreg:$0x2];
	[bflag:$0x3] =	sbarrier.arrive $0xFFFF;
	s2 =	simm.s32 @!p0 $0x1C09  }
0xc4: {  	[timem:s3], [sflag:s2] =	dma.local @!p0 [hbm:s0], s1  }
0xc5: {  	s0 =	simm.s32 @!p0 $0x9  }
0xc6: {  	_ =	swait.ge @!p0 [sflag:s0], s1  }
0xc7: {  	s1 =	ssub.s32 @!p0 $0x0, s1;
	[sflag:s0] =	ssyncset.done @!p0 $0x0  }
0xc8: {  	[sflag:s0] =	ssyncadd.s32 @!p0 s1  }
0xc9: {  	[bflag:$0x3] =	sbarrier.arrive $0xFFFF  }
0xca: {  	_ =	shalt  }

</sc_bundles>
